<compile_context>
chip_gen: v7x
topology: tpu7x:2x2x1
jax: 0.10.2.dev20260603
libtpu: 0.0.44.dev20260713+nightly
codegen_flags: <defaults>
</compile_context>

<pallas_src>
import functools
import math

import jax
import jax.numpy as jnp
from jax import lax
from jax.experimental import pallas as pl
from jax.experimental.pallas import tpu as pltpu
from jax.experimental.pallas import tpu_sc as plsc

RC = 3.0
B = 1.0
A = 1.0
N_ATOMS = 100000
N_EDGES = 6400000

NC = 2
NS = 16
L = 16
NW = NC * NS
CHUNK = 2048
TOTCH = N_EDGES // CHUNK
IPC = CHUNK // L
U = 16
AR = 896
AC = 128
RPT = AR // NS


@functools.partial(
    pl.kernel,
    out_type=jax.ShapeDtypeStruct((NC, AR, AC), jnp.float32),
    mesh=plsc.VectorSubcoreMesh(
        core_axis_name="c", subcore_axis_name="s", num_cores=NC,
        num_subcores=NS,
    ),
    scratch_types=[
        pltpu.VMEM((AR, AC), jnp.float32),
        pltpu.VMEM((CHUNK,), jnp.float32),
        pltpu.VMEM((CHUNK,), jnp.float32),
        pltpu.VMEM((CHUNK,), jnp.int32),
        pltpu.VMEM((CHUNK,), jnp.int32),
        pltpu.VMEM((AR,), jnp.int32),
        pltpu.VMEM_SHARED((AR, AC), jnp.float32),
        pltpu.SemaphoreType.DMA,
        pltpu.SemaphoreType.DMA,
        pltpu.SemaphoreType.DMA,
        pltpu.SemaphoreType.DMA,
    ],
    compiler_params=pltpu.CompilerParams(needs_layout_passes=False),
)
def _sc_segsum(dist_hbm, ind_hbm, out_hbm, acc, dbuf0, dbuf1, ibuf0, ibuf1,
               rowidx, stage, sd0, sd1, si0, si1):
    cid = lax.axis_index("c")
    sid = lax.axis_index("s")
    wid = sid * NC + cid
    n_w = TOTCH // NW + jnp.where(wid < TOTCH % NW, 1, 0)
    io = lax.iota(jnp.int32, L)
    zero = jnp.zeros((L,), jnp.float32)
    zcol = jnp.zeros((L,), jnp.int32)
    e0 = jnp.float32(A * math.exp(-RC / B))
    a_const = jnp.float32(A)

    dbufs = (dbuf0, dbuf1)
    ibufs = (ibuf0, ibuf1)
    dsems = (sd0, sd1)
    isems = (si0, si1)

    def issue(k, buf):
        eb = (wid + NW * k) * CHUNK
        pltpu.async_copy(dist_hbm.at[pl.ds(eb, CHUNK)], dbufs[buf], dsems[buf])
        pltpu.async_copy(ind_hbm.at[0, pl.ds(eb, CHUNK)], ibufs[buf],
                         isems[buf])

    def wait(buf):
        pltpu.make_async_copy(dist_hbm.at[pl.ds(0, CHUNK)], dbufs[buf],
                              dsems[buf]).wait()
        pltpu.make_async_copy(ind_hbm.at[0, pl.ds(0, CHUNK)], ibufs[buf],
                              isems[buf]).wait()

    def process(buf):
        @plsc.parallel_loop(0, IPC, 1, unroll=U)
        def body(i):
            b16 = i * L
            d = dbufs[buf][pl.ds(b16, L)]
            idxv = ibufs[buf][pl.ds(b16, L)]
            env = a_const * jnp.exp(-d) - e0
            plsc.addupdate_scatter(acc, [zcol, idxv], env)

    @pl.when(n_w > 0)
    def _():
        issue(0, 0)

    @pl.when(n_w > 1)
    def _():
        issue(1, 1)

    def zinit(j, carry):
        for k in range(AC // L):
            acc[j, pl.ds(k * L, L)] = zero
        return carry
    lax.fori_loop(0, AR, zinit, 0)

    def iinit(j, carry):
        rowidx[pl.ds(j * L, L)] = io + j * L
        return carry
    lax.fori_loop(0, AR // L, iinit, 0)

    pltpu.sync_copy(acc.at[pl.ds(0, RPT)], stage.at[pl.ds(sid * RPT, RPT)])

    def outer(j, carry):
        k0 = 2 * j
        k1 = 2 * j + 1

        @pl.when(k0 < n_w)
        def _():
            wait(0)
            process(0)

        @pl.when(k0 + 2 < n_w)
        def _():
            issue(k0 + 2, 0)

        @pl.when(k1 < n_w)
        def _():
            wait(1)
            process(1)

        @pl.when(k1 + 2 < n_w)
        def _():
            issue(k1 + 2, 1)

        return carry
    lax.fori_loop(0, (n_w + 1) // 2, outer, 0)

    plsc.subcore_barrier()
    pltpu.sync_copy(acc, stage.at[rowidx], add=True)
    plsc.subcore_barrier()
    pltpu.sync_copy(stage.at[pl.ds(sid * RPT, RPT)],
                    out_hbm.at[cid, pl.ds(sid * RPT, RPT)])


def _tc_combine(p_ref, o_ref):
    s = (p_ref[0] + p_ref[1]) * 0.5
    o_ref[...] = s.reshape(-1)[:N_ATOMS]


_combine = pl.pallas_call(
    _tc_combine,
    out_shape=jax.ShapeDtypeStruct((N_ATOMS,), jnp.float32),
)


def kernel(dist, ind_1, ind_2):
    del ind_1
    idt = ind_2.astype(jnp.int32).T
    partials = _sc_segsum(dist, idt)
    return _combine(partials)

# --- scband reference (transcript-rebuilt; emitter-appended) ---
"""Pipeline reference for scband-repulsive-15796889714854 (READ-ONLY COPY).

The authoritative reference and input builder live on the scoring server;
editing this copy changes nothing except your own understanding.
"""

import jax, jax.numpy as jnp
import numpy as np

RC = 3.0
B = 1.0
A = 1.0
N_ATOMS = 100000
N_EDGES = 6400000


def setup_inputs(seed: int = 0) -> dict:
    key = jax.random.key(seed)
    k1, k2, k3 = jax.random.split(key, 3)
    dist = jax.random.uniform(k1, (N_EDGES,), dtype=jnp.float32)
    ind_1 = jax.random.randint(k2, (N_ATOMS, 1), 0, 16, dtype=jnp.int64)
    ind_2 = jax.random.randint(k3, (N_EDGES, 2), 0, N_ATOMS, dtype=jnp.int64)
    return {"dist": dist, "ind_1": ind_1, "ind_2": ind_2}


def reference(dist, ind_1, ind_2):
    # repulsive Buckingham potential: en = A*exp(-d/B) - A*exp(-rc/B)
    e0 = A * jnp.exp(jnp.asarray(-RC / B, dtype=dist.dtype))
    en = A * jnp.exp(-dist / B) - e0
    natom = ind_1.shape[0]
    # tf.math.unsorted_segment_sum(en, ind_2[:, 0], natom)
    en_atom = jax.ops.segment_sum(en, ind_2[:, 0], num_segments=natom)
    return en_atom / 2.0

if __name__ == "__main__":
    import jax
    _d = setup_inputs()
    print(jax.jit(kernel)(*tuple(_d.values())))

</pallas_src>

<mosaic_0001>
#map = affine_map<(d0, d1) -> (0)>
#map1 = affine_map<(d0, d1) -> (0, 0)>
#map2 = affine_map<(d0, d1) -> (0, 0, 0)>
module attributes {stable_mosaic.version = 14 : i64} {
  func.func @_sc_segsum(%arg0: i32, %arg1: i32, %arg2: memref<6400000xf32, #tpu.memory_space<hbm>>, %arg3: memref<2x6400000xi32, #tpu.memory_space<hbm>>, %arg4: memref<2x896x128xf32, #tpu.memory_space<hbm>>, %arg5: memref<896x128xf32, #tpu.memory_space<vmem>>, %arg6: memref<2048xf32, #tpu.memory_space<vmem>>, %arg7: memref<2048xf32, #tpu.memory_space<vmem>>, %arg8: memref<2048xi32, #tpu.memory_space<vmem>>, %arg9: memref<2048xi32, #tpu.memory_space<vmem>>, %arg10: memref<896xi32, #tpu.memory_space<vmem>>, %arg11: memref<896x128xf32, #tpu.memory_space<vmem_shared>>, %arg12: memref<!tpu.dma_semaphore, #tpu.memory_space<semaphore_mem>>, %arg13: memref<!tpu.dma_semaphore, #tpu.memory_space<semaphore_mem>>, %arg14: memref<!tpu.dma_semaphore, #tpu.memory_space<semaphore_mem>>, %arg15: memref<!tpu.dma_semaphore, #tpu.memory_space<semaphore_mem>>) attributes {dimension_semantics = [#tpu.dimension_semantics<core_parallel>, #tpu.dimension_semantics<subcore_parallel>], iteration_bounds = array<i64: 2, 16>, scalar_prefetch = 0 : i64, scratch_operands = 11 : i64, tpu.core_type = #tpu.core_type<sc_vector_subcore>, window_params = [{transform_indices = #map}, {transform_indices = #map1}, {transform_indices = #map2}]} {
    %mul3A = arith.constant 2 : i32
    %mul3A_0 = arith.muli %arg1, %mul3A : i32
    %add3A = arith.addi %mul3A_0, %arg0 : i32
    %lt3A = arith.constant 21 : i32
    %lt3A_1 = arith.cmpi slt, %add3A, %lt3A : i32
    %jit3A = arith.constant 1 : i32
    %jit3A_2 = arith.constant 0 : i32
    %select_n3A = arith.select %lt3A_1, %jit3A, %jit3A_2 : i32
    %add3A_3 = arith.constant 97 : i32
    %add3A_4 = arith.addi %add3A_3, %select_n3A : i32
    %iota3A = tpu.iota {dimensions = array<i32: 0>} : vector<16xi32>
    %broadcast_in_dim3A = arith.constant 0.000000e+00 : f32
    %broadcast_in_dim3A_5 = vector.broadcast %broadcast_in_dim3A : f32 to vector<16xf32>
    %broadcast_in_dim3A_6 = arith.constant 0 : i32
    %broadcast_in_dim3A_7 = vector.broadcast %broadcast_in_dim3A_6 : i32 to vector<16xi32>
    %gt3A = arith.constant 0 : i32
    %gt3A_8 = arith.cmpi sgt, %add3A_4, %gt3A : i32
    %convert_element_type3A = arith.extui %gt3A_8 : i1 to i32
    %cond3A = arith.constant 0 : i32
    %cond3A_9 = arith.cmpi ne, %convert_element_type3A, %cond3A : i32
    scf.if %cond3A_9 {
      %add3A_64 = arith.constant 0 : i32
      %add3A_65 = arith.addi %add3A, %add3A_64 : i32
      %mul3A_66 = arith.constant 2048 : i32
      %mul3A_67 = arith.muli %add3A_65, %mul3A_66 : i32
      %dma_start3A = tpu.memref_slice %arg2[%mul3A_67] : memref<6400000xf32, #tpu.memory_space<hbm>> -> memref<2048xf32, #tpu.memory_space<hbm>>
      %dma_start3A_68 = tpu.memref_slice %arg2[%mul3A_67] : memref<6400000xf32, #tpu.memory_space<hbm>> -> memref<2048xf32, #tpu.memory_space<hbm>>
      tpu.enqueue_dma source(%dma_start3A_68 : memref<2048xf32, #tpu.memory_space<hbm>>) target(%arg6 : memref<2048xf32, #tpu.memory_space<vmem>>) target_semaphore(%arg12 : memref<!tpu.dma_semaphore, #tpu.memory_space<semaphore_mem>>)
      %dma_start3A_69 = arith.constant 0 : i32
      %dma_start3A_70 = tpu.memref_slice %arg3[%dma_start3A_69, %mul3A_67] : memref<2x6400000xi32, #tpu.memory_space<hbm>> -> memref<1x2048xi32, #tpu.memory_space<hbm>>
      %dma_start3A_71 = tpu.memref_squeeze %dma_start3A_70 : memref<1x2048xi32, #tpu.memory_space<hbm>> -> memref<2048xi32, #tpu.memory_space<hbm>>
      %dma_start3A_72 = tpu.memref_slice %arg3[%dma_start3A_69, %mul3A_67] : memref<2x6400000xi32, #tpu.memory_space<hbm>> -> memref<1x2048xi32, #tpu.memory_space<hbm>>
      %dma_start3A_73 = tpu.memref_squeeze %dma_start3A_72 : memref<1x2048xi32, #tpu.memory_space<hbm>> -> memref<2048xi32, #tpu.memory_space<hbm>>
      tpu.enqueue_dma source(%dma_start3A_73 : memref<2048xi32, #tpu.memory_space<hbm>>) target(%arg8 : memref<2048xi32, #tpu.memory_space<vmem>>) target_semaphore(%arg14 : memref<!tpu.dma_semaphore, #tpu.memory_space<semaphore_mem>>)
    } else {
    }
    %gt3A_10 = arith.constant 1 : i32
    %gt3A_11 = arith.cmpi sgt, %add3A_4, %gt3A_10 : i32
    %convert_element_type3A_12 = arith.extui %gt3A_11 : i1 to i32
    %cond3A_13 = arith.constant 0 : i32
    %cond3A_14 = arith.cmpi ne, %convert_element_type3A_12, %cond3A_13 : i32
    scf.if %cond3A_14 {
      %add3A_64 = arith.constant 32 : i32
      %add3A_65 = arith.addi %add3A, %add3A_64 : i32
      %mul3A_66 = arith.constant 2048 : i32
      %mul3A_67 = arith.muli %add3A_65, %mul3A_66 : i32
      %dma_start3A = tpu.memref_slice %arg2[%mul3A_67] : memref<6400000xf32, #tpu.memory_space<hbm>> -> memref<2048xf32, #tpu.memory_space<hbm>>
      %dma_start3A_68 = tpu.memref_slice %arg2[%mul3A_67] : memref<6400000xf32, #tpu.memory_space<hbm>> -> memref<2048xf32, #tpu.memory_space<hbm>>
      tpu.enqueue_dma source(%dma_start3A_68 : memref<2048xf32, #tpu.memory_space<hbm>>) target(%arg7 : memref<2048xf32, #tpu.memory_space<vmem>>) target_semaphore(%arg13 : memref<!tpu.dma_semaphore, #tpu.memory_space<semaphore_mem>>)
      %dma_start3A_69 = arith.constant 0 : i32
      %dma_start3A_70 = tpu.memref_slice %arg3[%dma_start3A_69, %mul3A_67] : memref<2x6400000xi32, #tpu.memory_space<hbm>> -> memref<1x2048xi32, #tpu.memory_space<hbm>>
      %dma_start3A_71 = tpu.memref_squeeze %dma_start3A_70 : memref<1x2048xi32, #tpu.memory_space<hbm>> -> memref<2048xi32, #tpu.memory_space<hbm>>
      %dma_start3A_72 = tpu.memref_slice %arg3[%dma_start3A_69, %mul3A_67] : memref<2x6400000xi32, #tpu.memory_space<hbm>> -> memref<1x2048xi32, #tpu.memory_space<hbm>>
      %dma_start3A_73 = tpu.memref_squeeze %dma_start3A_72 : memref<1x2048xi32, #tpu.memory_space<hbm>> -> memref<2048xi32, #tpu.memory_space<hbm>>
      tpu.enqueue_dma source(%dma_start3A_73 : memref<2048xi32, #tpu.memory_space<hbm>>) target(%arg9 : memref<2048xi32, #tpu.memory_space<vmem>>) target_semaphore(%arg15 : memref<!tpu.dma_semaphore, #tpu.memory_space<semaphore_mem>>)
    } else {
    }
    %scan3A = arith.constant 0 : i32
    %scan3A_15 = arith.constant 0 : i32
    %scan3A_16 = arith.constant 896 : i32
    %scan3A_17 = arith.addi %scan3A_15, %scan3A_16 : i32
    %scan3A_18 = arith.constant 1 : i32
    scf.for %scan3A_64 = %scan3A_15 to %scan3A_17 step %scan3A_18  : i32 {
      %swap3A = arith.index_cast %scan3A_64 : i32 to index
      %swap3A_65 = arith.constant 0 : index
      %swap3A_66 = tpu.vector_load %arg5[%swap3A, %swap3A_65] {strides = array<i32>} : memref<896x128xf32, #tpu.memory_space<vmem>>, vector<16xf32>,
      tpu.vector_store %arg5[%swap3A, %swap3A_65], %broadcast_in_dim3A_5 {strides = array<i32>} : memref<896x128xf32, #tpu.memory_space<vmem>>, vector<16xf32>,
      %swap3A_67 = arith.index_cast %scan3A_64 : i32 to index
      %swap3A_68 = arith.constant 16 : index
      %swap3A_69 = tpu.vector_load %arg5[%swap3A_67, %swap3A_68] {strides = array<i32>} : memref<896x128xf32, #tpu.memory_space<vmem>>, vector<16xf32>,
      tpu.vector_store %arg5[%swap3A_67, %swap3A_68], %broadcast_in_dim3A_5 {strides = array<i32>} : memref<896x128xf32, #tpu.memory_space<vmem>>, vector<16xf32>,
      %swap3A_70 = arith.index_cast %scan3A_64 : i32 to index
      %swap3A_71 = arith.constant 32 : index
      %swap3A_72 = tpu.vector_load %arg5[%swap3A_70, %swap3A_71] {strides = array<i32>} : memref<896x128xf32, #tpu.memory_space<vmem>>, vector<16xf32>,
      tpu.vector_store %arg5[%swap3A_70, %swap3A_71], %broadcast_in_dim3A_5 {strides = array<i32>} : memref<896x128xf32, #tpu.memory_space<vmem>>, vector<16xf32>,
      %swap3A_73 = arith.index_cast %scan3A_64 : i32 to index
      %swap3A_74 = arith.constant 48 : index
      %swap3A_75 = tpu.vector_load %arg5[%swap3A_73, %swap3A_74] {strides = array<i32>} : memref<896x128xf32, #tpu.memory_space<vmem>>, vector<16xf32>,
      tpu.vector_store %arg5[%swap3A_73, %swap3A_74], %broadcast_in_dim3A_5 {strides = array<i32>} : memref<896x128xf32, #tpu.memory_space<vmem>>, vector<16xf32>,
      %swap3A_76 = arith.index_cast %scan3A_64 : i32 to index
      %swap3A_77 = arith.constant 64 : index
      %swap3A_78 = tpu.vector_load %arg5[%swap3A_76, %swap3A_77] {strides = array<i32>} : memref<896x128xf32, #tpu.memory_space<vmem>>, vector<16xf32>,
      tpu.vector_store %arg5[%swap3A_76, %swap3A_77], %broadcast_in_dim3A_5 {strides = array<i32>} : memref<896x128xf32, #tpu.memory_space<vmem>>, vector<16xf32>,
      %swap3A_79 = arith.index_cast %scan3A_64 : i32 to index
      %swap3A_80 = arith.constant 80 : index
      %swap3A_81 = tpu.vector_load %arg5[%swap3A_79, %swap3A_80] {strides = array<i32>} : memref<896x128xf32, #tpu.memory_space<vmem>>, vector<16xf32>,
      tpu.vector_store %arg5[%swap3A_79, %swap3A_80], %broadcast_in_dim3A_5 {strides = array<i32>} : memref<896x128xf32, #tpu.memory_space<vmem>>, vector<16xf32>,
      %swap3A_82 = arith.index_cast %scan3A_64 : i32 to index
      %swap3A_83 = arith.constant 96 : index
      %swap3A_84 = tpu.vector_load %arg5[%swap3A_82, %swap3A_83] {strides = array<i32>} : memref<896x128xf32, #tpu.memory_space<vmem>>, vector<16xf32>,
      tpu.vector_store %arg5[%swap3A_82, %swap3A_83], %broadcast_in_dim3A_5 {strides = array<i32>} : memref<896x128xf32, #tpu.memory_space<vmem>>, vector<16xf32>,
      %swap3A_85 = arith.index_cast %scan3A_64 : i32 to index
      %swap3A_86 = arith.constant 112 : index
      %swap3A_87 = tpu.vector_load %arg5[%swap3A_85, %swap3A_86] {strides = array<i32>} : memref<896x128xf32, #tpu.memory_space<vmem>>, vector<16xf32>,
      tpu.vector_store %arg5[%swap3A_85, %swap3A_86], %broadcast_in_dim3A_5 {strides = array<i32>} : memref<896x128xf32, #tpu.memory_space<vmem>>, vector<16xf32>,
    }
    %scan3A_19 = arith.constant 896 : i32
    %scan3A_20 = arith.constant 0 : i32
    %scan3A_21 = arith.constant 0 : i32
    %scan3A_22 = arith.constant 56 : i32
    %scan3A_23 = arith.addi %scan3A_21, %scan3A_22 : i32
    %scan3A_24 = arith.constant 1 : i32
    scf.for %scan3A_64 = %scan3A_21 to %scan3A_23 step %scan3A_24  : i32 {
      %mul3A_65 = arith.constant 16 : i32
      %mul3A_66 = arith.muli %scan3A_64, %mul3A_65 : i32
      %add3A_67 = vector.broadcast %mul3A_66 : i32 to vector<16xi32>
      %add3A_68 = arith.addi %iota3A, %add3A_67 : vector<16xi32>
      %mul3A_69 = arith.constant 16 : i32
      %mul3A_70 = arith.muli %scan3A_64, %mul3A_69 : i32
      %swap3A = arith.index_cast %mul3A_70 : i32 to index
      %swap3A_71 = tpu.vector_load %arg10[%swap3A] {strides = array<i32>} : memref<896xi32, #tpu.memory_space<vmem>>, vector<16xi32>,
      tpu.vector_store %arg10[%swap3A], %add3A_68 {strides = array<i32>} : memref<896xi32, #tpu.memory_space<vmem>>, vector<16xi32>,
    }
    %scan3A_25 = arith.constant 56 : i32
    %mul3A_26 = arith.constant 56 : i32
    %mul3A_27 = arith.muli %arg1, %mul3A_26 : i32
    "tpu.region"() ({
      %run_scoped3A = tpu.sem_alloc : memref<!tpu.dma_semaphore, #tpu.memory_space<semaphore_mem>>
      %dma_start3A = arith.constant 0 : i32
      %dma_start3A_64 = arith.constant 0 : i32
      %dma_start3A_65 = tpu.memref_slice %arg5[%dma_start3A, %dma_start3A_64] : memref<896x128xf32, #tpu.memory_space<vmem>> -> memref<56x128xf32, #tpu.memory_space<vmem>>
      %dma_start3A_66 = arith.constant 0 : i32
      %dma_start3A_67 = tpu.memref_slice %arg11[%mul3A_27, %dma_start3A_66] : memref<896x128xf32, #tpu.memory_space<vmem_shared>> -> memref<56x128xf32, #tpu.memory_space<vmem_shared>>
      %dma_start3A_68 = arith.constant 0 : i32
      %dma_start3A_69 = tpu.memref_slice %arg11[%mul3A_27, %dma_start3A_68] : memref<896x128xf32, #tpu.memory_space<vmem_shared>> -> memref<56x128xf32, #tpu.memory_space<vmem_shared>>
      %dma_start3A_70 = arith.constant 0 : i32
      %dma_start3A_71 = arith.constant 0 : i32
      %dma_start3A_72 = tpu.memref_slice %arg5[%dma_start3A_70, %dma_start3A_71] : memref<896x128xf32, #tpu.memory_space<vmem>> -> memref<56x128xf32, #tpu.memory_space<vmem>>
      tpu.enqueue_dma source(%dma_start3A_72 : memref<56x128xf32, #tpu.memory_space<vmem>>) target(%dma_start3A_69 : memref<56x128xf32, #tpu.memory_space<vmem_shared>>) target_semaphore(%run_scoped3A : memref<!tpu.dma_semaphore, #tpu.memory_space<semaphore_mem>>)
      %dma_wait3A = arith.constant 0 : i32
      %dma_wait3A_73 = arith.constant 0 : i32
      %dma_wait3A_74 = tpu.memref_slice %arg5[%dma_wait3A, %dma_wait3A_73] : memref<896x128xf32, #tpu.memory_space<vmem>> -> memref<56x128xf32, #tpu.memory_space<vmem>>
      %dma_wait3A_75 = arith.constant 0 : i32
      %dma_wait3A_76 = tpu.memref_slice %arg11[%mul3A_27, %dma_wait3A_75] : memref<896x128xf32, #tpu.memory_space<vmem_shared>> -> memref<56x128xf32, #tpu.memory_space<vmem_shared>>
      %dma_wait3A_77 = arith.constant 0 : i32
      %dma_wait3A_78 = tpu.memref_slice %arg11[%mul3A_27, %dma_wait3A_77] : memref<896x128xf32, #tpu.memory_space<vmem_shared>> -> memref<56x128xf32, #tpu.memory_space<vmem_shared>>
      %dma_wait3A_79 = arith.constant 0 : i32
      %dma_wait3A_80 = arith.constant 0 : i32
      %dma_wait3A_81 = tpu.memref_slice %arg5[%dma_wait3A_79, %dma_wait3A_80] : memref<896x128xf32, #tpu.memory_space<vmem>> -> memref<56x128xf32, #tpu.memory_space<vmem>>
      tpu.wait_dma2 semaphore(%run_scoped3A : memref<!tpu.dma_semaphore, #tpu.memory_space<semaphore_mem>>) src(%dma_wait3A_81 : memref<56x128xf32, #tpu.memory_space<vmem>>) dst(%dma_wait3A_78 : memref<56x128xf32, #tpu.memory_space<vmem_shared>>)
      tpu.yield
    }) : () -> ()
    %add3A_28 = arith.constant 1 : i32
    %add3A_29 = arith.addi %add3A_4, %add3A_28 : i32
    %jit3A_30 = arith.constant 2 : i32
    %div3A = arith.divsi %add3A_29, %jit3A_30 : i32
    %sign3A = arith.constant 0 : i32
    %sign3A_31 = arith.cmpi sgt, %add3A_29, %sign3A : i32
    %sign3A_32 = arith.extui %sign3A_31 : i1 to i32
    %sign3A_33 = arith.constant 0 : i32
    %sign3A_34 = arith.cmpi slt, %add3A_29, %sign3A_33 : i32
    %sign3A_35 = arith.extui %sign3A_34 : i1 to i32
    %sign3A_36 = arith.subi %sign3A_32, %sign3A_35 : i32
    %sign3A_37 = arith.constant 0 : i32
    %sign3A_38 = arith.cmpi sgt, %jit3A_30, %sign3A_37 : i32
    %sign3A_39 = arith.extui %sign3A_38 : i1 to i32
    %sign3A_40 = arith.constant 0 : i32
    %sign3A_41 = arith.cmpi slt, %jit3A_30, %sign3A_40 : i32
    %sign3A_42 = arith.extui %sign3A_41 : i1 to i32
    %sign3A_43 = arith.subi %sign3A_39, %sign3A_42 : i32
    %ne3A = arith.cmpi ne, %sign3A_36, %sign3A_43 : i32
    %rem3A = arith.remsi %add3A_29, %jit3A_30 : i32
    %ne3A_44 = arith.constant 0 : i32
    %ne3A_45 = arith.cmpi ne, %rem3A, %ne3A_44 : i32
    %and3A = arith.andi %ne3A, %ne3A_45 : i1
    %sub3A = arith.constant 1 : i32
    %sub3A_46 = arith.subi %div3A, %sub3A : i32
    %select_n3A_47 = arith.select %and3A, %sub3A_46, %div3A : i32
    %while3A = arith.constant 0 : i32
    %while3A_48 = arith.constant 1.000000e+00 : f32
    %while3A_49 = arith.constant 0.0497870669 : f32
    %while3A_50 = arith.constant 0 : i32
    %while3A_51 = arith.subi %select_n3A_47, %while3A_50 : i32
    %while3A_52 = arith.addi %while3A_50, %while3A_51 : i32
    %while3A_53 = arith.constant 1 : i32
    %while3A_54 = arith.divsi %while3A_51, %while3A_53 : i32
    %while3A_55 = arith.muli %while3A_54, %while3A_53 : i32
    %while3A_56 = arith.addi %while3A_50, %while3A_55 : i32
    %while3A_57 = arith.constant 1 : i32
    scf.for %while3A_64 = %while3A_50 to %while3A_56 step %while3A_57  : i32 {
      %mul3A_65 = arith.constant 2 : i32
      %mul3A_66 = arith.muli %mul3A_65, %while3A_64 : i32
      %mul3A_67 = arith.constant 2 : i32
      %mul3A_68 = arith.muli %mul3A_67, %while3A_64 : i32
      %add3A_69 = arith.constant 1 : i32
      %add3A_70 = arith.addi %mul3A_68, %add3A_69 : i32
      %lt3A_71 = arith.cmpi slt, %mul3A_66, %add3A_4 : i32
      %convert_element_type3A_72 = arith.extui %lt3A_71 : i1 to i32
      %cond3A_73 = arith.constant 0 : i32
      %cond3A_74 = arith.cmpi ne, %convert_element_type3A_72, %cond3A_73 : i32
      scf.if %cond3A_74 {
        %dma_wait3A = arith.constant 0 : i32
        %dma_wait3A_91 = tpu.memref_slice %arg2[%dma_wait3A] : memref<6400000xf32, #tpu.memory_space<hbm>> -> memref<2048xf32, #tpu.memory_space<hbm>>
        %dma_wait3A_92 = arith.constant 0 : i32
        %dma_wait3A_93 = tpu.memref_slice %arg2[%dma_wait3A_92] : memref<6400000xf32, #tpu.memory_space<hbm>> -> memref<2048xf32, #tpu.memory_space<hbm>>
        tpu.wait_dma2 semaphore(%arg12 : memref<!tpu.dma_semaphore, #tpu.memory_space<semaphore_mem>>) src(%dma_wait3A_93 : memref<2048xf32, #tpu.memory_space<hbm>>) dst(%arg6 : memref<2048xf32, #tpu.memory_space<vmem>>)
        %dma_wait3A_94 = arith.constant 0 : i32
        %dma_wait3A_95 = arith.constant 0 : i32
        %dma_wait3A_96 = tpu.memref_slice %arg3[%dma_wait3A_94, %dma_wait3A_95] : memref<2x6400000xi32, #tpu.memory_space<hbm>> -> memref<1x2048xi32, #tpu.memory_space<hbm>>
        %dma_wait3A_97 = tpu.memref_squeeze %dma_wait3A_96 : memref<1x2048xi32, #tpu.memory_space<hbm>> -> memref<2048xi32, #tpu.memory_space<hbm>>
        %dma_wait3A_98 = arith.constant 0 : i32
        %dma_wait3A_99 = tpu.memref_slice %arg3[%dma_wait3A_94, %dma_wait3A_98] : memref<2x6400000xi32, #tpu.memory_space<hbm>> -> memref<1x2048xi32, #tpu.memory_space<hbm>>
        %dma_wait3A_100 = tpu.memref_squeeze %dma_wait3A_99 : memref<1x2048xi32, #tpu.memory_space<hbm>> -> memref<2048xi32, #tpu.memory_space<hbm>>
        tpu.wait_dma2 semaphore(%arg14 : memref<!tpu.dma_semaphore, #tpu.memory_space<semaphore_mem>>) src(%dma_wait3A_100 : memref<2048xi32, #tpu.memory_space<hbm>>) dst(%arg8 : memref<2048xi32, #tpu.memory_space<vmem>>)
        %parallel_loop3A = arith.constant 0 : i32
        %parallel_loop3A_101 = arith.constant 128 : i32
        %parallel_loop3A_102 = arith.constant 1 : i32
        scf.for %parallel_loop3A_103 = %parallel_loop3A to %parallel_loop3A_101 step %parallel_loop3A_102  : i32 {
          %parallel_loop3A_104 = arith.constant 16 : i32
          %parallel_loop3A_105 = arith.muli %parallel_loop3A_103, %parallel_loop3A_104 : i32
          %parallel_loop3A_106 = arith.index_cast %parallel_loop3A_105 : i32 to index
          %parallel_loop3A_107 = tpu.vector_load %arg6[%parallel_loop3A_106] {strides = array<i32>} : memref<2048xf32, #tpu.memory_space<vmem>>, vector<16xf32>,
          %parallel_loop3A_108 = arith.index_cast %parallel_loop3A_105 : i32 to index
          %parallel_loop3A_109 = tpu.vector_load %arg8[%parallel_loop3A_108] {strides = array<i32>} : memref<2048xi32, #tpu.memory_space<vmem>>, vector<16xi32>,
          %parallel_loop3A_110 = arith.constant 0.000000e+00 : f32
          %parallel_loop3A_111 = vector.broadcast %parallel_loop3A_110 : f32 to vector<16xf32>
          %parallel_loop3A_112 = arith.subf %parallel_loop3A_111, %parallel_loop3A_107 : vector<16xf32>
          %parallel_loop3A_113 = math.exp %parallel_loop3A_112 : vector<16xf32>
          %parallel_loop3A_114 = vector.broadcast %while3A_48 : f32 to vector<16xf32>
          %parallel_loop3A_115 = arith.mulf %parallel_loop3A_114, %parallel_loop3A_113 : vector<16xf32>
          %parallel_loop3A_116 = vector.broadcast %while3A_49 : f32 to vector<16xf32>
          %parallel_loop3A_117 = arith.subf %parallel_loop3A_115, %parallel_loop3A_116 : vector<16xf32>
          tpu.vector_store_idx %arg5[%broadcast_in_dim3A_7, %parallel_loop3A_109], %parallel_loop3A_117 {add = true} : memref<896x128xf32, #tpu.memory_space<vmem>>[vector<16xi32>, vector<16xi32>], vector<16xf32>,
        } {sc.loop_unroll_factor = 16 : i64, sc.parallel_access}
      } else {
      }
      %add3A_75 = arith.constant 2 : i32
      %add3A_76 = arith.addi %mul3A_66, %add3A_75 : i32
      %lt3A_77 = arith.cmpi slt, %add3A_76, %add3A_4 : i32
      %convert_element_type3A_78 = arith.extui %lt3A_77 : i1 to i32
      %cond3A_79 = arith.constant 0 : i32
      %cond3A_80 = arith.cmpi ne, %convert_element_type3A_78, %cond3A_79 : i32
      scf.if %cond3A_80 {
        %add3A_91 = arith.constant 2 : i32
        %add3A_92 = arith.addi %mul3A_66, %add3A_91 : i32
        %mul3A_93 = arith.constant 32 : i32
        %mul3A_94 = arith.muli %mul3A_93, %add3A_92 : i32
        %add3A_95 = arith.addi %add3A, %mul3A_94 : i32
        %mul3A_96 = arith.constant 2048 : i32
        %mul3A_97 = arith.muli %add3A_95, %mul3A_96 : i32
        %dma_start3A = tpu.memref_slice %arg2[%mul3A_97] : memref<6400000xf32, #tpu.memory_space<hbm>> -> memref<2048xf32, #tpu.memory_space<hbm>>
        %dma_start3A_98 = tpu.memref_slice %arg2[%mul3A_97] : memref<6400000xf32, #tpu.memory_space<hbm>> -> memref<2048xf32, #tpu.memory_space<hbm>>
        tpu.enqueue_dma source(%dma_start3A_98 : memref<2048xf32, #tpu.memory_space<hbm>>) target(%arg6 : memref<2048xf32, #tpu.memory_space<vmem>>) target_semaphore(%arg12 : memref<!tpu.dma_semaphore, #tpu.memory_space<semaphore_mem>>)
        %dma_start3A_99 = arith.constant 0 : i32
        %dma_start3A_100 = tpu.memref_slice %arg3[%dma_start3A_99, %mul3A_97] : memref<2x6400000xi32, #tpu.memory_space<hbm>> -> memref<1x2048xi32, #tpu.memory_space<hbm>>
        %dma_start3A_101 = tpu.memref_squeeze %dma_start3A_100 : memref<1x2048xi32, #tpu.memory_space<hbm>> -> memref<2048xi32, #tpu.memory_space<hbm>>
        %dma_start3A_102 = tpu.memref_slice %arg3[%dma_start3A_99, %mul3A_97] : memref<2x6400000xi32, #tpu.memory_space<hbm>> -> memref<1x2048xi32, #tpu.memory_space<hbm>>
        %dma_start3A_103 = tpu.memref_squeeze %dma_start3A_102 : memref<1x2048xi32, #tpu.memory_space<hbm>> -> memref<2048xi32, #tpu.memory_space<hbm>>
        tpu.enqueue_dma source(%dma_start3A_103 : memref<2048xi32, #tpu.memory_space<hbm>>) target(%arg8 : memref<2048xi32, #tpu.memory_space<vmem>>) target_semaphore(%arg14 : memref<!tpu.dma_semaphore, #tpu.memory_space<semaphore_mem>>)
      } else {
      }
      %lt3A_81 = arith.cmpi slt, %add3A_70, %add3A_4 : i32
      %convert_element_type3A_82 = arith.extui %lt3A_81 : i1 to i32
      %cond3A_83 = arith.constant 0 : i32
      %cond3A_84 = arith.cmpi ne, %convert_element_type3A_82, %cond3A_83 : i32
      scf.if %cond3A_84 {
        %dma_wait3A = arith.constant 0 : i32
        %dma_wait3A_91 = tpu.memref_slice %arg2[%dma_wait3A] : memref<6400000xf32, #tpu.memory_space<hbm>> -> memref<2048xf32, #tpu.memory_space<hbm>>
        %dma_wait3A_92 = arith.constant 0 : i32
        %dma_wait3A_93 = tpu.memref_slice %arg2[%dma_wait3A_92] : memref<6400000xf32, #tpu.memory_space<hbm>> -> memref<2048xf32, #tpu.memory_space<hbm>>
        tpu.wait_dma2 semaphore(%arg13 : memref<!tpu.dma_semaphore, #tpu.memory_space<semaphore_mem>>) src(%dma_wait3A_93 : memref<2048xf32, #tpu.memory_space<hbm>>) dst(%arg7 : memref<2048xf32, #tpu.memory_space<vmem>>)
        %dma_wait3A_94 = arith.constant 0 : i32
        %dma_wait3A_95 = arith.constant 0 : i32
        %dma_wait3A_96 = tpu.memref_slice %arg3[%dma_wait3A_94, %dma_wait3A_95] : memref<2x6400000xi32, #tpu.memory_space<hbm>> -> memref<1x2048xi32, #tpu.memory_space<hbm>>
        %dma_wait3A_97 = tpu.memref_squeeze %dma_wait3A_96 : memref<1x2048xi32, #tpu.memory_space<hbm>> -> memref<2048xi32, #tpu.memory_space<hbm>>
        %dma_wait3A_98 = arith.constant 0 : i32
        %dma_wait3A_99 = tpu.memref_slice %arg3[%dma_wait3A_94, %dma_wait3A_98] : memref<2x6400000xi32, #tpu.memory_space<hbm>> -> memref<1x2048xi32, #tpu.memory_space<hbm>>
        %dma_wait3A_100 = tpu.memref_squeeze %dma_wait3A_99 : memref<1x2048xi32, #tpu.memory_space<hbm>> -> memref<2048xi32, #tpu.memory_space<hbm>>
        tpu.wait_dma2 semaphore(%arg15 : memref<!tpu.dma_semaphore, #tpu.memory_space<semaphore_mem>>) src(%dma_wait3A_100 : memref<2048xi32, #tpu.memory_space<hbm>>) dst(%arg9 : memref<2048xi32, #tpu.memory_space<vmem>>)
        %parallel_loop3A = arith.constant 0 : i32
        %parallel_loop3A_101 = arith.constant 128 : i32
        %parallel_loop3A_102 = arith.constant 1 : i32
        scf.for %parallel_loop3A_103 = %parallel_loop3A to %parallel_loop3A_101 step %parallel_loop3A_102  : i32 {
          %parallel_loop3A_104 = arith.constant 16 : i32
          %parallel_loop3A_105 = arith.muli %parallel_loop3A_103, %parallel_loop3A_104 : i32
          %parallel_loop3A_106 = arith.index_cast %parallel_loop3A_105 : i32 to index
          %parallel_loop3A_107 = tpu.vector_load %arg7[%parallel_loop3A_106] {strides = array<i32>} : memref<2048xf32, #tpu.memory_space<vmem>>, vector<16xf32>,
          %parallel_loop3A_108 = arith.index_cast %parallel_loop3A_105 : i32 to index
          %parallel_loop3A_109 = tpu.vector_load %arg9[%parallel_loop3A_108] {strides = array<i32>} : memref<2048xi32, #tpu.memory_space<vmem>>, vector<16xi32>,
          %parallel_loop3A_110 = arith.constant 0.000000e+00 : f32
          %parallel_loop3A_111 = vector.broadcast %parallel_loop3A_110 : f32 to vector<16xf32>
          %parallel_loop3A_112 = arith.subf %parallel_loop3A_111, %parallel_loop3A_107 : vector<16xf32>
          %parallel_loop3A_113 = math.exp %parallel_loop3A_112 : vector<16xf32>
          %parallel_loop3A_114 = vector.broadcast %while3A_48 : f32 to vector<16xf32>
          %parallel_loop3A_115 = arith.mulf %parallel_loop3A_114, %parallel_loop3A_113 : vector<16xf32>
          %parallel_loop3A_116 = vector.broadcast %while3A_49 : f32 to vector<16xf32>
          %parallel_loop3A_117 = arith.subf %parallel_loop3A_115, %parallel_loop3A_116 : vector<16xf32>
          tpu.vector_store_idx %arg5[%broadcast_in_dim3A_7, %parallel_loop3A_109], %parallel_loop3A_117 {add = true} : memref<896x128xf32, #tpu.memory_space<vmem>>[vector<16xi32>, vector<16xi32>], vector<16xf32>,
        } {sc.loop_unroll_factor = 16 : i64, sc.parallel_access}
      } else {
      }
      %add3A_85 = arith.constant 2 : i32
      %add3A_86 = arith.addi %add3A_70, %add3A_85 : i32
      %lt3A_87 = arith.cmpi slt, %add3A_86, %add3A_4 : i32
      %convert_element_type3A_88 = arith.extui %lt3A_87 : i1 to i32
      %cond3A_89 = arith.constant 0 : i32
      %cond3A_90 = arith.cmpi ne, %convert_element_type3A_88, %cond3A_89 : i32
      scf.if %cond3A_90 {
        %add3A_91 = arith.constant 2 : i32
        %add3A_92 = arith.addi %add3A_70, %add3A_91 : i32
        %mul3A_93 = arith.constant 32 : i32
        %mul3A_94 = arith.muli %mul3A_93, %add3A_92 : i32
        %add3A_95 = arith.addi %add3A, %mul3A_94 : i32
        %mul3A_96 = arith.constant 2048 : i32
        %mul3A_97 = arith.muli %add3A_95, %mul3A_96 : i32
        %dma_start3A = tpu.memref_slice %arg2[%mul3A_97] : memref<6400000xf32, #tpu.memory_space<hbm>> -> memref<2048xf32, #tpu.memory_space<hbm>>
        %dma_start3A_98 = tpu.memref_slice %arg2[%mul3A_97] : memref<6400000xf32, #tpu.memory_space<hbm>> -> memref<2048xf32, #tpu.memory_space<hbm>>
        tpu.enqueue_dma source(%dma_start3A_98 : memref<2048xf32, #tpu.memory_space<hbm>>) target(%arg7 : memref<2048xf32, #tpu.memory_space<vmem>>) target_semaphore(%arg13 : memref<!tpu.dma_semaphore, #tpu.memory_space<semaphore_mem>>)
        %dma_start3A_99 = arith.constant 0 : i32
        %dma_start3A_100 = tpu.memref_slice %arg3[%dma_start3A_99, %mul3A_97] : memref<2x6400000xi32, #tpu.memory_space<hbm>> -> memref<1x2048xi32, #tpu.memory_space<hbm>>
        %dma_start3A_101 = tpu.memref_squeeze %dma_start3A_100 : memref<1x2048xi32, #tpu.memory_space<hbm>> -> memref<2048xi32, #tpu.memory_space<hbm>>
        %dma_start3A_102 = tpu.memref_slice %arg3[%dma_start3A_99, %mul3A_97] : memref<2x6400000xi32, #tpu.memory_space<hbm>> -> memref<1x2048xi32, #tpu.memory_space<hbm>>
        %dma_start3A_103 = tpu.memref_squeeze %dma_start3A_102 : memref<1x2048xi32, #tpu.memory_space<hbm>> -> memref<2048xi32, #tpu.memory_space<hbm>>
        tpu.enqueue_dma source(%dma_start3A_103 : memref<2048xi32, #tpu.memory_space<hbm>>) target(%arg9 : memref<2048xi32, #tpu.memory_space<vmem>>) target_semaphore(%arg15 : memref<!tpu.dma_semaphore, #tpu.memory_space<semaphore_mem>>)
      } else {
      }
    }
    %while3A_58 = arith.constant 1 : i32
    scf.for %while3A_64 = %while3A_56 to %while3A_52 step %while3A_58  : i32 {
      %mul3A_65 = arith.constant 2 : i32
      %mul3A_66 = arith.muli %mul3A_65, %while3A_64 : i32
      %mul3A_67 = arith.constant 2 : i32
      %mul3A_68 = arith.muli %mul3A_67, %while3A_64 : i32
      %add3A_69 = arith.constant 1 : i32
      %add3A_70 = arith.addi %mul3A_68, %add3A_69 : i32
      %lt3A_71 = arith.cmpi slt, %mul3A_66, %add3A_4 : i32
      %convert_element_type3A_72 = arith.extui %lt3A_71 : i1 to i32
      %cond3A_73 = arith.constant 0 : i32
      %cond3A_74 = arith.cmpi ne, %convert_element_type3A_72, %cond3A_73 : i32
      scf.if %cond3A_74 {
        %dma_wait3A = arith.constant 0 : i32
        %dma_wait3A_91 = tpu.memref_slice %arg2[%dma_wait3A] : memref<6400000xf32, #tpu.memory_space<hbm>> -> memref<2048xf32, #tpu.memory_space<hbm>>
        %dma_wait3A_92 = arith.constant 0 : i32
        %dma_wait3A_93 = tpu.memref_slice %arg2[%dma_wait3A_92] : memref<6400000xf32, #tpu.memory_space<hbm>> -> memref<2048xf32, #tpu.memory_space<hbm>>
        tpu.wait_dma2 semaphore(%arg12 : memref<!tpu.dma_semaphore, #tpu.memory_space<semaphore_mem>>) src(%dma_wait3A_93 : memref<2048xf32, #tpu.memory_space<hbm>>) dst(%arg6 : memref<2048xf32, #tpu.memory_space<vmem>>)
        %dma_wait3A_94 = arith.constant 0 : i32
        %dma_wait3A_95 = arith.constant 0 : i32
        %dma_wait3A_96 = tpu.memref_slice %arg3[%dma_wait3A_94, %dma_wait3A_95] : memref<2x6400000xi32, #tpu.memory_space<hbm>> -> memref<1x2048xi32, #tpu.memory_space<hbm>>
        %dma_wait3A_97 = tpu.memref_squeeze %dma_wait3A_96 : memref<1x2048xi32, #tpu.memory_space<hbm>> -> memref<2048xi32, #tpu.memory_space<hbm>>
        %dma_wait3A_98 = arith.constant 0 : i32
        %dma_wait3A_99 = tpu.memref_slice %arg3[%dma_wait3A_94, %dma_wait3A_98] : memref<2x6400000xi32, #tpu.memory_space<hbm>> -> memref<1x2048xi32, #tpu.memory_space<hbm>>
        %dma_wait3A_100 = tpu.memref_squeeze %dma_wait3A_99 : memref<1x2048xi32, #tpu.memory_space<hbm>> -> memref<2048xi32, #tpu.memory_space<hbm>>
        tpu.wait_dma2 semaphore(%arg14 : memref<!tpu.dma_semaphore, #tpu.memory_space<semaphore_mem>>) src(%dma_wait3A_100 : memref<2048xi32, #tpu.memory_space<hbm>>) dst(%arg8 : memref<2048xi32, #tpu.memory_space<vmem>>)
        %parallel_loop3A = arith.constant 0 : i32
        %parallel_loop3A_101 = arith.constant 128 : i32
        %parallel_loop3A_102 = arith.constant 1 : i32
        scf.for %parallel_loop3A_103 = %parallel_loop3A to %parallel_loop3A_101 step %parallel_loop3A_102  : i32 {
          %parallel_loop3A_104 = arith.constant 16 : i32
          %parallel_loop3A_105 = arith.muli %parallel_loop3A_103, %parallel_loop3A_104 : i32
          %parallel_loop3A_106 = arith.index_cast %parallel_loop3A_105 : i32 to index
          %parallel_loop3A_107 = tpu.vector_load %arg6[%parallel_loop3A_106] {strides = array<i32>} : memref<2048xf32, #tpu.memory_space<vmem>>, vector<16xf32>,
          %parallel_loop3A_108 = arith.index_cast %parallel_loop3A_105 : i32 to index
          %parallel_loop3A_109 = tpu.vector_load %arg8[%parallel_loop3A_108] {strides = array<i32>} : memref<2048xi32, #tpu.memory_space<vmem>>, vector<16xi32>,
          %parallel_loop3A_110 = arith.constant 0.000000e+00 : f32
          %parallel_loop3A_111 = vector.broadcast %parallel_loop3A_110 : f32 to vector<16xf32>
          %parallel_loop3A_112 = arith.subf %parallel_loop3A_111, %parallel_loop3A_107 : vector<16xf32>
          %parallel_loop3A_113 = math.exp %parallel_loop3A_112 : vector<16xf32>
          %parallel_loop3A_114 = vector.broadcast %while3A_48 : f32 to vector<16xf32>
          %parallel_loop3A_115 = arith.mulf %parallel_loop3A_114, %parallel_loop3A_113 : vector<16xf32>
          %parallel_loop3A_116 = vector.broadcast %while3A_49 : f32 to vector<16xf32>
          %parallel_loop3A_117 = arith.subf %parallel_loop3A_115, %parallel_loop3A_116 : vector<16xf32>
          tpu.vector_store_idx %arg5[%broadcast_in_dim3A_7, %parallel_loop3A_109], %parallel_loop3A_117 {add = true} : memref<896x128xf32, #tpu.memory_space<vmem>>[vector<16xi32>, vector<16xi32>], vector<16xf32>,
        } {sc.loop_unroll_factor = 16 : i64, sc.parallel_access}
      } else {
      }
      %add3A_75 = arith.constant 2 : i32
      %add3A_76 = arith.addi %mul3A_66, %add3A_75 : i32
      %lt3A_77 = arith.cmpi slt, %add3A_76, %add3A_4 : i32
      %convert_element_type3A_78 = arith.extui %lt3A_77 : i1 to i32
      %cond3A_79 = arith.constant 0 : i32
      %cond3A_80 = arith.cmpi ne, %convert_element_type3A_78, %cond3A_79 : i32
      scf.if %cond3A_80 {
        %add3A_91 = arith.constant 2 : i32
        %add3A_92 = arith.addi %mul3A_66, %add3A_91 : i32
        %mul3A_93 = arith.constant 32 : i32
        %mul3A_94 = arith.muli %mul3A_93, %add3A_92 : i32
        %add3A_95 = arith.addi %add3A, %mul3A_94 : i32
        %mul3A_96 = arith.constant 2048 : i32
        %mul3A_97 = arith.muli %add3A_95, %mul3A_96 : i32
        %dma_start3A = tpu.memref_slice %arg2[%mul3A_97] : memref<6400000xf32, #tpu.memory_space<hbm>> -> memref<2048xf32, #tpu.memory_space<hbm>>
        %dma_start3A_98 = tpu.memref_slice %arg2[%mul3A_97] : memref<6400000xf32, #tpu.memory_space<hbm>> -> memref<2048xf32, #tpu.memory_space<hbm>>
        tpu.enqueue_dma source(%dma_start3A_98 : memref<2048xf32, #tpu.memory_space<hbm>>) target(%arg6 : memref<2048xf32, #tpu.memory_space<vmem>>) target_semaphore(%arg12 : memref<!tpu.dma_semaphore, #tpu.memory_space<semaphore_mem>>)
        %dma_start3A_99 = arith.constant 0 : i32
        %dma_start3A_100 = tpu.memref_slice %arg3[%dma_start3A_99, %mul3A_97] : memref<2x6400000xi32, #tpu.memory_space<hbm>> -> memref<1x2048xi32, #tpu.memory_space<hbm>>
        %dma_start3A_101 = tpu.memref_squeeze %dma_start3A_100 : memref<1x2048xi32, #tpu.memory_space<hbm>> -> memref<2048xi32, #tpu.memory_space<hbm>>
        %dma_start3A_102 = tpu.memref_slice %arg3[%dma_start3A_99, %mul3A_97] : memref<2x6400000xi32, #tpu.memory_space<hbm>> -> memref<1x2048xi32, #tpu.memory_space<hbm>>
        %dma_start3A_103 = tpu.memref_squeeze %dma_start3A_102 : memref<1x2048xi32, #tpu.memory_space<hbm>> -> memref<2048xi32, #tpu.memory_space<hbm>>
        tpu.enqueue_dma source(%dma_start3A_103 : memref<2048xi32, #tpu.memory_space<hbm>>) target(%arg8 : memref<2048xi32, #tpu.memory_space<vmem>>) target_semaphore(%arg14 : memref<!tpu.dma_semaphore, #tpu.memory_space<semaphore_mem>>)
      } else {
      }
      %lt3A_81 = arith.cmpi slt, %add3A_70, %add3A_4 : i32
      %convert_element_type3A_82 = arith.extui %lt3A_81 : i1 to i32
      %cond3A_83 = arith.constant 0 : i32
      %cond3A_84 = arith.cmpi ne, %convert_element_type3A_82, %cond3A_83 : i32
      scf.if %cond3A_84 {
        %dma_wait3A = arith.constant 0 : i32
        %dma_wait3A_91 = tpu.memref_slice %arg2[%dma_wait3A] : memref<6400000xf32, #tpu.memory_space<hbm>> -> memref<2048xf32, #tpu.memory_space<hbm>>
        %dma_wait3A_92 = arith.constant 0 : i32
        %dma_wait3A_93 = tpu.memref_slice %arg2[%dma_wait3A_92] : memref<6400000xf32, #tpu.memory_space<hbm>> -> memref<2048xf32, #tpu.memory_space<hbm>>
        tpu.wait_dma2 semaphore(%arg13 : memref<!tpu.dma_semaphore, #tpu.memory_space<semaphore_mem>>) src(%dma_wait3A_93 : memref<2048xf32, #tpu.memory_space<hbm>>) dst(%arg7 : memref<2048xf32, #tpu.memory_space<vmem>>)
        %dma_wait3A_94 = arith.constant 0 : i32
        %dma_wait3A_95 = arith.constant 0 : i32
        %dma_wait3A_96 = tpu.memref_slice %arg3[%dma_wait3A_94, %dma_wait3A_95] : memref<2x6400000xi32, #tpu.memory_space<hbm>> -> memref<1x2048xi32, #tpu.memory_space<hbm>>
        %dma_wait3A_97 = tpu.memref_squeeze %dma_wait3A_96 : memref<1x2048xi32, #tpu.memory_space<hbm>> -> memref<2048xi32, #tpu.memory_space<hbm>>
        %dma_wait3A_98 = arith.constant 0 : i32
        %dma_wait3A_99 = tpu.memref_slice %arg3[%dma_wait3A_94, %dma_wait3A_98] : memref<2x6400000xi32, #tpu.memory_space<hbm>> -> memref<1x2048xi32, #tpu.memory_space<hbm>>
        %dma_wait3A_100 = tpu.memref_squeeze %dma_wait3A_99 : memref<1x2048xi32, #tpu.memory_space<hbm>> -> memref<2048xi32, #tpu.memory_space<hbm>>
        tpu.wait_dma2 semaphore(%arg15 : memref<!tpu.dma_semaphore, #tpu.memory_space<semaphore_mem>>) src(%dma_wait3A_100 : memref<2048xi32, #tpu.memory_space<hbm>>) dst(%arg9 : memref<2048xi32, #tpu.memory_space<vmem>>)
        %parallel_loop3A = arith.constant 0 : i32
        %parallel_loop3A_101 = arith.constant 128 : i32
        %parallel_loop3A_102 = arith.constant 1 : i32
        scf.for %parallel_loop3A_103 = %parallel_loop3A to %parallel_loop3A_101 step %parallel_loop3A_102  : i32 {
          %parallel_loop3A_104 = arith.constant 16 : i32
          %parallel_loop3A_105 = arith.muli %parallel_loop3A_103, %parallel_loop3A_104 : i32
          %parallel_loop3A_106 = arith.index_cast %parallel_loop3A_105 : i32 to index
          %parallel_loop3A_107 = tpu.vector_load %arg7[%parallel_loop3A_106] {strides = array<i32>} : memref<2048xf32, #tpu.memory_space<vmem>>, vector<16xf32>,
          %parallel_loop3A_108 = arith.index_cast %parallel_loop3A_105 : i32 to index
          %parallel_loop3A_109 = tpu.vector_load %arg9[%parallel_loop3A_108] {strides = array<i32>} : memref<2048xi32, #tpu.memory_space<vmem>>, vector<16xi32>,
          %parallel_loop3A_110 = arith.constant 0.000000e+00 : f32
          %parallel_loop3A_111 = vector.broadcast %parallel_loop3A_110 : f32 to vector<16xf32>
          %parallel_loop3A_112 = arith.subf %parallel_loop3A_111, %parallel_loop3A_107 : vector<16xf32>
          %parallel_loop3A_113 = math.exp %parallel_loop3A_112 : vector<16xf32>
          %parallel_loop3A_114 = vector.broadcast %while3A_48 : f32 to vector<16xf32>
          %parallel_loop3A_115 = arith.mulf %parallel_loop3A_114, %parallel_loop3A_113 : vector<16xf32>
          %parallel_loop3A_116 = vector.broadcast %while3A_49 : f32 to vector<16xf32>
          %parallel_loop3A_117 = arith.subf %parallel_loop3A_115, %parallel_loop3A_116 : vector<16xf32>
          tpu.vector_store_idx %arg5[%broadcast_in_dim3A_7, %parallel_loop3A_109], %parallel_loop3A_117 {add = true} : memref<896x128xf32, #tpu.memory_space<vmem>>[vector<16xi32>, vector<16xi32>], vector<16xf32>,
        } {sc.loop_unroll_factor = 16 : i64, sc.parallel_access}
      } else {
      }
      %add3A_85 = arith.constant 2 : i32
      %add3A_86 = arith.addi %add3A_70, %add3A_85 : i32
      %lt3A_87 = arith.cmpi slt, %add3A_86, %add3A_4 : i32
      %convert_element_type3A_88 = arith.extui %lt3A_87 : i1 to i32
      %cond3A_89 = arith.constant 0 : i32
      %cond3A_90 = arith.cmpi ne, %convert_element_type3A_88, %cond3A_89 : i32
      scf.if %cond3A_90 {
        %add3A_91 = arith.constant 2 : i32
        %add3A_92 = arith.addi %add3A_70, %add3A_91 : i32
        %mul3A_93 = arith.constant 32 : i32
        %mul3A_94 = arith.muli %mul3A_93, %add3A_92 : i32
        %add3A_95 = arith.addi %add3A, %mul3A_94 : i32
        %mul3A_96 = arith.constant 2048 : i32
        %mul3A_97 = arith.muli %add3A_95, %mul3A_96 : i32
        %dma_start3A = tpu.memref_slice %arg2[%mul3A_97] : memref<6400000xf32, #tpu.memory_space<hbm>> -> memref<2048xf32, #tpu.memory_space<hbm>>
        %dma_start3A_98 = tpu.memref_slice %arg2[%mul3A_97] : memref<6400000xf32, #tpu.memory_space<hbm>> -> memref<2048xf32, #tpu.memory_space<hbm>>
        tpu.enqueue_dma source(%dma_start3A_98 : memref<2048xf32, #tpu.memory_space<hbm>>) target(%arg7 : memref<2048xf32, #tpu.memory_space<vmem>>) target_semaphore(%arg13 : memref<!tpu.dma_semaphore, #tpu.memory_space<semaphore_mem>>)
        %dma_start3A_99 = arith.constant 0 : i32
        %dma_start3A_100 = tpu.memref_slice %arg3[%dma_start3A_99, %mul3A_97] : memref<2x6400000xi32, #tpu.memory_space<hbm>> -> memref<1x2048xi32, #tpu.memory_space<hbm>>
        %dma_start3A_101 = tpu.memref_squeeze %dma_start3A_100 : memref<1x2048xi32, #tpu.memory_space<hbm>> -> memref<2048xi32, #tpu.memory_space<hbm>>
        %dma_start3A_102 = tpu.memref_slice %arg3[%dma_start3A_99, %mul3A_97] : memref<2x6400000xi32, #tpu.memory_space<hbm>> -> memref<1x2048xi32, #tpu.memory_space<hbm>>
        %dma_start3A_103 = tpu.memref_squeeze %dma_start3A_102 : memref<1x2048xi32, #tpu.memory_space<hbm>> -> memref<2048xi32, #tpu.memory_space<hbm>>
        tpu.enqueue_dma source(%dma_start3A_103 : memref<2048xi32, #tpu.memory_space<hbm>>) target(%arg9 : memref<2048xi32, #tpu.memory_space<vmem>>) target_semaphore(%arg15 : memref<!tpu.dma_semaphore, #tpu.memory_space<semaphore_mem>>)
      } else {
      }
    }
    %barrier3A = arith.constant 0 : index
    tpu.barrier barrier_id(%barrier3A)
    "tpu.region"() ({
      %run_scoped3A = tpu.sem_alloc : memref<!tpu.dma_semaphore, #tpu.memory_space<semaphore_mem>>
      %dma_start3A = arith.constant 0 : i32
      %dma_start3A_64 = arith.constant 0 : i32
      %dma_start3A_65 = tpu.memref_slice %arg11[%dma_start3A, %dma_start3A_64] : memref<896x128xf32, #tpu.memory_space<vmem_shared>> -> memref<896x128xf32, #tpu.memory_space<vmem_shared>>
      tpu.enqueue_indirect_dma source(%arg5 : memref<896x128xf32, #tpu.memory_space<vmem>>) target(%dma_start3A_65 : memref<896x128xf32, #tpu.memory_space<vmem_shared>>) offsets(%arg10 : memref<896xi32, #tpu.memory_space<vmem>>) semaphore(%run_scoped3A : memref<!tpu.dma_semaphore, #tpu.memory_space<semaphore_mem>>) {add = true}
      %dma_wait3A = arith.constant 0 : i32
      %dma_wait3A_66 = arith.constant 0 : i32
      %dma_wait3A_67 = tpu.memref_slice %arg11[%dma_wait3A, %dma_wait3A_66] : memref<896x128xf32, #tpu.memory_space<vmem_shared>> -> memref<896x128xf32, #tpu.memory_space<vmem_shared>>
      tpu.wait_indirect_dma semaphore(%run_scoped3A : memref<!tpu.dma_semaphore, #tpu.memory_space<semaphore_mem>>) src(%arg5 : memref<896x128xf32, #tpu.memory_space<vmem>>) dst(%dma_wait3A_67 : memref<896x128xf32, #tpu.memory_space<vmem_shared>>)
      tpu.yield
    }) : () -> ()
    %barrier3A_59 = arith.constant 0 : index
    tpu.barrier barrier_id(%barrier3A_59)
    %mul3A_60 = arith.constant 56 : i32
    %mul3A_61 = arith.muli %arg1, %mul3A_60 : i32
    %mul3A_62 = arith.constant 56 : i32
    %mul3A_63 = arith.muli %arg1, %mul3A_62 : i32
    "tpu.region"() ({
      %run_scoped3A = tpu.sem_alloc : memref<!tpu.dma_semaphore, #tpu.memory_space<semaphore_mem>>
      %dma_start3A = arith.constant 0 : i32
      %dma_start3A_64 = tpu.memref_slice %arg4[%arg0, %mul3A_63, %dma_start3A] : memref<2x896x128xf32, #tpu.memory_space<hbm>> -> memref<1x56x128xf32, #tpu.memory_space<hbm>>
      %dma_start3A_65 = tpu.memref_squeeze %dma_start3A_64 : memref<1x56x128xf32, #tpu.memory_space<hbm>> -> memref<56x128xf32, #tpu.memory_space<hbm>>
      %dma_start3A_66 = arith.constant 0 : i32
      %dma_start3A_67 = tpu.memref_slice %arg11[%mul3A_61, %dma_start3A_66] : memref<896x128xf32, #tpu.memory_space<vmem_shared>> -> memref<56x128xf32, #tpu.memory_space<vmem_shared>>
      tpu.enqueue_dma source(%dma_start3A_67 : memref<56x128xf32, #tpu.memory_space<vmem_shared>>) target(%dma_start3A_65 : memref<56x128xf32, #tpu.memory_space<hbm>>) target_semaphore(%run_scoped3A : memref<!tpu.dma_semaphore, #tpu.memory_space<semaphore_mem>>)
      %dma_wait3A = arith.constant 0 : i32
      %dma_wait3A_68 = tpu.memref_slice %arg4[%arg0, %mul3A_63, %dma_wait3A] : memref<2x896x128xf32, #tpu.memory_space<hbm>> -> memref<1x56x128xf32, #tpu.memory_space<hbm>>
      %dma_wait3A_69 = tpu.memref_squeeze %dma_wait3A_68 : memref<1x56x128xf32, #tpu.memory_space<hbm>> -> memref<56x128xf32, #tpu.memory_space<hbm>>
      %dma_wait3A_70 = arith.constant 0 : i32
      %dma_wait3A_71 = tpu.memref_slice %arg11[%mul3A_61, %dma_wait3A_70] : memref<896x128xf32, #tpu.memory_space<vmem_shared>> -> memref<56x128xf32, #tpu.memory_space<vmem_shared>>
      tpu.wait_dma2 semaphore(%run_scoped3A : memref<!tpu.dma_semaphore, #tpu.memory_space<semaphore_mem>>) src(%dma_wait3A_71 : memref<56x128xf32, #tpu.memory_space<vmem_shared>>) dst(%dma_wait3A_69 : memref<56x128xf32, #tpu.memory_space<hbm>>)
      tpu.yield
    }) : () -> ()
    return
  }
}

module attributes {stable_mosaic.version = 14 : i64} {
  func.func @_tc_combine(%arg0: memref<2x896x128xf32, #tpu.memory_space<vmem>>, %arg1: memref<100000xf32, #tpu.memory_space<vmem>>) attributes {dimension_semantics = [], scalar_prefetch = 0 : i64, scratch_operands = 0 : i64, tpu.core_type = #tpu.core_type<tc>} {
    %get3A = arith.constant 0 : index
    %get3A_0 = arith.constant 0 : index
    %get3A_1 = arith.constant 0 : index
    %get3A_2 = vector.load %arg0[%get3A, %get3A_0, %get3A_1] : memref<2x896x128xf32, #tpu.memory_space<vmem>>, vector<1x896x128xf32>
    %get3A_3 = vector.shape_cast %get3A_2 : vector<1x896x128xf32> to vector<896x128xf32>
    %get3A_4 = arith.constant 1 : index
    %get3A_5 = arith.constant 0 : index
    %get3A_6 = arith.constant 0 : index
    %get3A_7 = vector.load %arg0[%get3A_4, %get3A_5, %get3A_6] : memref<2x896x128xf32, #tpu.memory_space<vmem>>, vector<1x896x128xf32>
    %get3A_8 = vector.shape_cast %get3A_7 : vector<1x896x128xf32> to vector<896x128xf32>
    %add3A = arith.addf %get3A_3, %get3A_8 : vector<896x128xf32>
    %mul3A = arith.constant 5.000000e-01 : f32
    %mul3A_9 = vector.broadcast %mul3A : f32 to vector<896x128xf32>
    %mul3A_10 = arith.mulf %add3A, %mul3A_9 : vector<896x128xf32>
    %reshape3A = vector.shape_cast %mul3A_10 : vector<896x128xf32> to vector<114688xf32>
    %slice3A = vector.extract_strided_slice %reshape3A {offsets = [0], sizes = [100000], strides = [1]} : vector<114688xf32> to vector<100000xf32>
    %swap3A = arith.constant 0 : index
    %swap3A_11 = vector.load %arg1[%swap3A] : memref<100000xf32, #tpu.memory_space<vmem>>, vector<100000xf32>
    tpu.vector_store %arg1[%swap3A], %slice3A {strides = array<i32>} : memref<100000xf32, #tpu.memory_space<vmem>>, vector<100000xf32>,
    return
  }
}

</mosaic_0001>

<sc_bundles>
// kernel: kernel.4.cloned.1.call-start
scs
__scs_entry_jumppad:
0x0: {  	(pc) =	sbr.rel $0x88, $3  }
0x1: {  	(tag) =	ssettag $0x0;
	lr =	simm.s32 $0x1  }
0x2: {  	[smem:$0x3F9F] =	sst lr;
	_ =	strace $0xD0000000  }
0x3: {  	_ = 	snop  }
0x4: {  	_ = 	snop  }
0x5: {  	_ = 	snop  }
0x6: {  	_ = 	snop  }
0x7: {  	_ = 	snop  }
__scs_overlays_trampoline_lowered:
0x8: {  	[smem:$0x3FAE] =	sst s0  }
0x9: {  	[smem:$0x3FAF] =	sst s1  }
0xa: {  	[smem:$0x3FB0] =	sst s2  }
0xb: {  	[smem:$0x3FB1] =	sst s3  }
0xc: {  	[smem:$0x3FB2] =	sst s4  }
0xd: {  	[smem:$0x3FB3] =	sst s5  }
0xe: {  	[smem:$0x3FB4] =	sst s6  }
0xf: {  	[smem:$0x3FB5] =	sst s7  }
0x10: {  	[smem:$0x3FB6] =	sst s8  }
0x11: {  	[smem:$0x3FB7] =	sst s9;
	s0 =	simm.s32 @!p0 $0x0  }
0x12: {  	s1 =	sld [smem:$0x3F9D];
	s0 =	simm.s32 @p0 $0x1  }
0x13: {  	[smem:$0x3FB8] =	sst s0;
	s0 =	simm.s32 @!p1 $0x0  }
0x14: {  	s2 =	sld [smem:$0x3F9C];
	s0 =	simm.s32 @p1 $0x1  }
0x15: {  	[smem:$0x3FB9] =	sst s0;
	s0 =	simm.s32 @!p2 $0x0  }
0x16: {  	s3 =	sld [smem:$0x3FDB];
	s0 =	simm.s32 @p2 $0x1  }
0x17: {  	s4 =	simm.s32 $0x1BF5;
	[smem:$0x3FBB] =	sst s0  }
0x18: {  	s0 =	sld [smem:$0x3F9E];
	_ =	swait.ge [sflag:s4], $0x0  }
0x19: {  	s7 =	sld [smem:$0x3F9F]  }
0x1a: {  	s8 =	sadd.s32 $0xFFFFE003, lr  }
0x1b: {  	s9 =	sadd.s32 $0xFFFFFEF7, lr;
	s5 =	simm.s32 $0xFFFFFFFF;
	p2 =	slt.u32 s8, $0xFFFFF086  }
0x1c: {  	p1 =	slt.u32 s9, $0xF7A;
	s5 =	simm.s32 @!p2 $0x0  }
0x1d: {  	s5 =	simm.s32 @p1 $0x1;
	p0 =	seq.s32 s7, s2  }
0x1e: {  	s7 =	smul.u32 @!p0 $0xF7A, s2;
	p2 =	seq.s32 @!p0 s5, $0x0  }
0x1f: {  	s9 =	smul.u32 $0xF7A, s1;
	s8 =	simm.s32 @!p0 $0x1BF5;
	p2 =	por !p2, p0  }
0x20: {  	[sflag:s8] =	ssyncset.s32 @!p0 $0xFFFFF086;
	s6 =	sadd.s32 @!p0 s3, s7;
	s7 =	simm.s32 @!p0 $0x108  }
0x21: {  	s3 =	sadd.s32 s3, s9;
	s6 =	sadd.s32 @!p0 $0x88, s6;
	s7 =	simm.s32 @p2 $0x1082  }
0x22: {  	[simem:s7], [sflag:s8] =	dma.local @!p0 [hbm:s6], $0xF7A  }
0x23: {  	s9 =	sor.u32 $0xD0000000, s2;
	s6 =	simm.s32 $0x108;
	_ =	swait.ge @!p0 [sflag:s8], $0x0  }
0x24: {  	s3 =	sadd.s32 $0x88, s3;
	s6 =	simm.s32 @!p1 $0x1082;
	[sflag:s4] =	ssyncset.s32 $0xFFFFF086  }
0x25: {  	[simem:s6], [sflag:s4] =	dma.local [hbm:s3], $0xF7A  }
0x26: {  	[smem:$0x3F9F] =	sst s1;
	(tag) =	ssettag s2;
	_ =	strace s9  }
0x27: {  	s1 =	sld [smem:$0x3FAF]  }
0x28: {  	s2 =	sld [smem:$0x3FB0]  }
0x29: {  	s4 =	sld [smem:$0x3FB2]  }
0x2a: {  	p0 =	seq.s32 s5, $0x0;
	s5 =	sld [smem:$0x3FB3]  }
0x2b: {  	s6 =	sld [smem:$0x3FB4]  }
0x2c: {  	s7 =	sld [smem:$0x3FB5]  }
0x2d: {  	s3 =	simm.s32 $0x108;
	s8 =	sld [smem:$0x3FB6]  }
0x2e: {  	s3 =	simm.s32 @!p0 $0x1082;
	s9 =	sld [smem:$0x3FB7]  }
0x2f: {  	lr =	sadd.s32 s0, s3;
	s0 =	sld [smem:$0x3FAE]  }
0x30: {  	s3 =	sld [smem:$0x3FB1]  }
0x31: {  	[smem:$0x3FBA] =	sst s10  }
0x32: {  	s10 =	sld [smem:$0x3FB8];
	_ =	sdelay $0x3  }
0x33: {  	p0 =	seq.s32 s10, $0x1;
	s10 =	sld [smem:$0x3FBA];
	_ =	sdelay $0x3  }
0x34: {  	[smem:$0x3FBA] =	sst s10  }
0x35: {  	s10 =	sld [smem:$0x3FB9];
	_ =	sdelay $0x3  }
0x36: {  	p1 =	seq.s32 s10, $0x1;
	s10 =	sld [smem:$0x3FBA];
	_ =	sdelay $0x3  }
0x37: {  	[smem:$0x3FBA] =	sst s10  }
0x38: {  	s10 =	sld [smem:$0x3FBB]  }
0x39: {  	_ = 	snop;
	(pc) =	sbr.ind lr, $3  }
0x3a: {  	_ = 	snop  }
0x3b: {  	_ = 	snop  }
0x3c: {  	p2 =	seq.s32 s10, $0x1;
	s10 =	sld [smem:$0x3FBA]  }
0x3d: {  	_ =	shalt  }
0x3e: {  	_ =	shalt  }
0x3f: {  	_ =	shalt  }
0x40: {  	_ =	shalt  }
0x41: {  	_ =	shalt  }
0x42: {  	_ =	shalt  }
0x43: {  	_ =	shalt  }
0x44: {  	_ =	shalt  }
0x45: {  	_ =	shalt  }
0x46: {  	_ =	shalt  }
0x47: {  	_ =	shalt  }
0x48: {  	_ =	shalt  }
0x49: {  	_ =	shalt  }
0x4a: {  	_ =	shalt  }
0x4b: {  	_ =	shalt  }
0x4c: {  	_ =	shalt  }
0x4d: {  	_ =	shalt  }
0x4e: {  	_ =	shalt  }
0x4f: {  	_ =	shalt  }
0x50: {  	_ =	shalt  }
0x51: {  	_ =	shalt  }
0x52: {  	_ =	shalt  }
0x53: {  	_ =	shalt  }
0x54: {  	_ =	shalt  }
0x55: {  	_ =	shalt  }
0x56: {  	_ =	shalt  }
0x57: {  	_ =	shalt  }
0x58: {  	_ =	shalt  }
0x59: {  	_ =	shalt  }
0x5a: {  	_ =	shalt  }
0x5b: {  	_ =	shalt  }
0x5c: {  	_ =	shalt  }
0x5d: {  	_ =	shalt  }
0x5e: {  	_ =	shalt  }
0x5f: {  	_ =	shalt  }
0x60: {  	_ =	shalt  }
0x61: {  	_ =	shalt  }
0x62: {  	_ =	shalt  }
0x63: {  	_ =	shalt  }
0x64: {  	_ =	shalt  }
0x65: {  	_ =	shalt  }
0x66: {  	_ =	shalt  }
0x67: {  	_ =	shalt  }
0x68: {  	_ =	shalt  }
0x69: {  	_ =	shalt  }
0x6a: {  	_ =	shalt  }
0x6b: {  	_ =	shalt  }
0x6c: {  	_ =	shalt  }
0x6d: {  	_ =	shalt  }
0x6e: {  	_ =	shalt  }
0x6f: {  	_ =	shalt  }
0x70: {  	_ =	shalt  }
0x71: {  	_ =	shalt  }
0x72: {  	_ =	shalt  }
0x73: {  	_ =	shalt  }
0x74: {  	_ =	shalt  }
0x75: {  	_ =	shalt  }
0x76: {  	_ =	shalt  }
0x77: {  	_ =	shalt  }
0x78: {  	_ =	shalt  }
0x79: {  	_ =	shalt  }
0x7a: {  	_ =	shalt  }
0x7b: {  	_ =	shalt  }
0x7c: {  	_ =	shalt  }
0x7d: {  	_ =	shalt  }
0x7e: {  	_ =	shalt  }
0x7f: {  	_ =	shalt  }
0x80: {  	_ =	shalt  }
0x81: {  	_ =	shalt  }
0x82: {  	_ =	shalt  }
0x83: {  	_ =	shalt  }
0x84: {  	_ =	shalt  }
0x85: {  	_ =	shalt  }
0x86: {  	_ =	shalt  }
0x87: {  	_ =	shalt  }
.Lfunc_end0:
.L_simem_size_0:
called_computation_lowered:
.L_overlay_start_0:
0x88: {  	s2 =	sld [smem:$0x3FD9]  }
0x89: {  	s3 =	sld [smem:$0x3FFE];
	_ =	sdelay $0x1  }
0x8a: {  	s1 =	srdreg.scid  }
0x8b: {  	s0 =	sand.u32 $0x1, s1  }
0x8c: {  	s17 =	sshll.u32 s0, $0xA;
	s2 =	sadd.s32 s3, s2  }
0x8d: {  	s2 =	sadd.s32 s2, s17  }
0x8e: {  	[smem:$0x3FC6] =	sst s2  }
0x8f: {  	_ = 	snop  }
0x90: {  	s2 =	sld [smem:$0x3FC9]  }
0x91: {  	s18 =	sld [smem:$0x3FC8];
	(tm) =	ssettm $0x1  }
0x92: {  	s4 =	sld [smem:$0x3FFB];
	_ =	sdelay $0x3  }
0x93: {  	_ =	strace s4  }
0x94: {  	s4 =	sld [smem:$0x3FFC];
	_ =	sdelay $0x3  }
0x95: {  	_ =	strace s4  }
0x96: {  	s4 =	sld [smem:$0x3FFD];
	_ =	sdelay $0x3  }
0x97: {  	_ =	strace s4  }
0x98: {  	_ =	strace $0x8FFFFFFF  }
0x99: {  	s19 =	sld [smem:$0x3FDB];
	_ =	sdelay $0x1  }
0x9a: {  	s5 =	simm.s32 $_scs_section_size  }
0x9b: {  	s6 =	simm.s32 $_size__tile_overlayer_lowered;
	s7 =	simm.s32 $_tile_overlayer_lowered  }
0x9c: {  	s22 =	simm.s32 $0x1BFF;
	s21 =	sshll.u32 s7, $0x1;
	s4 =	sadd.s32 s5, s19  }
0x9d: {  	s8 =	simm.s32 $0x0;
	s20 =	sshll.u32 s6, $0x1;
	s6 =	sadd.s32 s21, s4  }
0x9e: {  	[timem:s8], [sflag:s22] =	dma.local [hbm:s6], s20  }
0x9f: {  	_ =	swait.ge [sflag:s22], s20  }
0xa0: {  	s5 =	ssub.s32 $0x0, s20;
	[sflag:s22] =	ssyncset.done $0x0  }
0xa1: {  	[sflag:s22] =	ssyncadd.s32 s5;
	_ =	sdelay $0x1  }
0xa2: {  	s23 =	simm.s32 $0x1B8B  }
0xa3: {  	_ =	swait.ge [sflag:s23], $0x1  }
0xa4: {  	[sflag:s23] =	ssyncset.done $0x0  }
0xa5: {  	s25 =	simm.s32 $0x1B8E;
	s24 =	sld [smem:$0x3FFE];
	[sflag:s23] =	ssyncadd.s32 $0xFFFFFFFF  }
0xa6: {  	s26 =	simm.s32 $execute0_lowered;
	[smem:$0x3FD2] =	sst s25  }
0xa7: {  	s6 =	sshll.u32 s26, $0x1;
	_ =	strace $0x80000046;
	[dreg:$0x1] =	wrdreg $0xFFFFFFFF  }
0xa8: {  	s28 =	simm.s32 $_size_execute0_lowered;
	s4 =	sadd.s32 s4, s6;
	[dreg:$0x0] =	wrdreg $0x0  }
0xa9: {  	s6 =	sshll.u32 s28, $0x1;
	[dreg:$0x2] =	wrdreg s4  }
0xaa: {  	[dreg:$0x3] =	wrdreg s6  }
0xab: {  	[dreg:$0x4] =	wrdreg $0xC0  }
0xac: {  	_ =	task [dreg:s8], $0x5FFFF  }
0xad: {  	[dreg:$0x1] =	wrdreg $0xFFFFFFFF  }
0xae: {  	[dreg:$0x0] =	wrdreg $0x60  }
0xaf: {  	[dreg:$0x2] =	wrdreg s2  }
0xb0: {  	[dreg:$0x3] =	wrdreg s18  }
0xb1: {  	[dreg:$0x4] =	wrdreg s24  }
0xb2: {  	[dreg:$0x5] =	wrdreg $0x1E3800  }
0xb3: {  	[dreg:$0x6] =	wrdreg $0x9  }
0xb4: {  	_ =	task.clear_ibuf [dreg:s8], $0x7FFFF;
	_ =	strace $0x90000046  }
0xb5: {  	s29 =	simm.s32 $0x9;
	_ =	strace $0x80000048  }
0xb6: {  	_ =	swait.ge [sflag:s29], $0x1  }
0xb7: {  	[sflag:s29] =	ssyncadd.s32 $0xFFFFFFFF  }
0xb8: {  	_ =	strace $0x90000048  }
0xb9: {  	_ =	sfence  }
0xba: {  	s30 =	sld [smem:$0x0];
	_ =	sdelay $0x2  }
0xbb: {  	s31 =	sshll.u32 s1, $0xD;
	s1 =	sshrl.u32 s1, $0x2  }
0xbc: {  	s3 =	sand.u32 $0x4000, s31;
	s1 =	sadd.s32 s1, s30  }
0xbd: {  	s0 =	sor.u32 s3, s0;
	s1 =	sshll.u32 s1, $0x11  }
0xbe: {  	s0 =	sor.u32 s1, s0  }
0xbf: {  	s0 =	sadd.s32 $0x8F2B, s0  }
0xc0: {  	[sflag:s0] =	ssyncadd.remote.s32 $0x1  }
0xc1: {  	_ =	sfence.sel $0xFFFF  }
0xc2: {  	[dreg:$0x0] =	wrdreg $0xFFFFFFFF;
	(pc) =	sbr.abs _section_cstart, $3  }
0xc3: {  	[dreg:$0x1] =	wrdreg $0xFFFFFFFF  }
0xc4: {  	_ =	task.clear_ibuf [dreg:s8], $0x2FFFF;
	_ =	strace $0x9FFFFFFF  }
0xc5: {  	(tm) =	ssettm $0x7FFFFFFF  }
tec
execute0_lowered:
.L_overlay_start_1:
0x0: {  	(tag) =	ssettag $0x1  }
0x1: {  	s0 =	rddreg [dreg:$0x0]  }
0x2: {  	s1 =	rddreg [dreg:$0x1]  }
0x3: {  	s2 =	rddreg [dreg:$0x2]  }
0x4: {  	s3 =	srdreg.scid;
	s13 =	rddreg [dreg:$0x3];
	s5 =	simm.s32 $0x0  }
0x5: {  	s17 =	simm.s32 $0x80;
	s18 =	simm.s32 $0x100;
	s21 =	simm.s32 $0x1D800  }
0x6: {  	s22 =	simm.s32 $0x5;
	s23 =	simm.s32 $0x1;
	s28 =	simm.s32 $0x380  }
0x7: {  	s29 =	simm.s32 $0x1E000;
	s4 =	sand.u32 $0x1, s3;
	s3 =	stileid.u32  }
0x8: {  	s30 =	simm.s32 $0x0;
	[smem:$0x7FF] =	sst s5;
	s6 =	smul.u32 $0x1C000, s4  }
0x9: {  	s7 =	smul.u32 $0x1C00, s3;
	_ =	strace $0x80000047;
	s24 =	ssub.s32 $0x2, s4  }
0xa: {  	s9 =	sshll.u32 s3, $0x1;
	s12 =	smul.u32 $0x7000, s3;
	s8 =	sshrl.u32 s24, $0x1  }
0xb: {  	s4 =	sor.u32 s4, s9;
	s6 =	sadd.s32 s7, s6;
	s15 =	ssub.s32 s24, s8  }
0xc: {  	p0 =	slt.u32 s4, $0x15;
	s25 =	sshll.u32 s4, $0x8;
	s8 =	sshll.u32 s4, $0xB  }
0xd: {  	s4 =	sshll.u32 s4, $0x9;
	s31 =	sshrl.u32 s12, $0x2;
	s24 =	simm.s32 $0x3  }
0xe: {  	s6 =	sshrl.u32 s6, $0x3;
	s7 =	sadd.s32 s0, s25;
	s10 =	sor.u32 $0x10000, s8  }
.Ltmp0:
0xf: {  	s9 =	sadd.s32 s1, s4;
	s12 =	sadd.s32 s31, s13;
	(pc) =	sbr.rel .LBB2_1-.Ltmp0, $4  }
0x10: {  	s15 =	smax.u32 s15, $0x1;
	s25 =	simm.s32 $0x2;
	s2 =	sadd.s32 s6, s2  }
0x11: {  	s6 =	simm.s32 $0x62;
	s26 =	sshrl.u32 s10, $0x3;
	s11 =	sshrl.u32 s10, $0x2  }
0x12: {  	s6 =	simm.s32 @!p0 $0x61;
	s10 =	sadd.s32 s0, s26;
	s11 =	sadd.s32 s1, s11  }
0x13: {  	v0 =	vimm.f32 $0.0e+00;
	v1 =	vlaneseq.u32;
	s14 =	sadd.s32 $0x600, s2;
	s26 =	simm.s32 $0x4;
	s13 =	sadd.s32 $0xFFFFFFFF, s6  }
.LBB2_13:
0x14: {  	[bflag:$0x0] =	sbarrier.arrive $0xFFFF  }
0x15: {  	s2 =	rddreg [dreg:$0x3]  }
0x16: {  	[spmem:s2] =	stream.indirect.scatter.add.f32 [tilespmem:s5], [sflag:$0x5], $0x80, s29, s28, $0xb8;
	[tilespmem:$0x1FF80] =	vst v63  }
0x17: {  	_ =	swait.ge [sflag:s22], $0x1C000  }
0x18: {  	s31 =	sshll.u32 s3, $0x6;
	s30 =	sadd.s32 $0x1, s30;
	[sflag:s22] =	ssyncset.done $0x0  }
0x19: {  	s4 =	sshrl.u32 s12, $0x3;
	p0 =	sne.s32 s30, s15;
	[sflag:s22] =	ssyncadd.s32 $0xFFFE4000  }
.Ltmp1:
0x1a: {  	s2 =	sor.u32 $0x1C05, s31;
	[bflag:$0x0] =	sbarrier.arrive $0xFFFF;
	(pc) =	sbr.rel @!p0 .LBB2_14-.Ltmp1, $4  }
0x1b: {  	[hbm:s14], [sflag:s2] =	dma.local [spmem:s4], $0x380  }
0x1c: {  	_ =	swait.ge [sflag:s22], $0x380  }
0x1d: {  	[sflag:s22] =	ssyncset.done $0x0  }
0x1e: {  	[sflag:s22] =	ssyncadd.s32 $0xFFFFFC80  }
.LBB2_1:
0x1f: {  	s2 =	simm.s32 $0x1C000  }
0x20: {  	[tilespmem:s2], [sflag:$0x1] =	stream.linear.gather [hbm4b:s7+s5], $0x800, $0x38;
	[tilespmem:$0x1FF80] =	vst v63  }
0x21: {  	s20 =	simm.s32 $0x1D000  }
0x22: {  	[tilespmem:s20], [sflag:$0x3] =	stream.strided.gather [hbm4b:s9+s17], $0x800, s18, s17, $0x38;
	[tilespmem:$0x1FF80] =	vst v63  }
0x23: {  	s31 =	simm.s32 $0x1C800  }
0x24: {  	[tilespmem:s31], [sflag:$0x2] =	stream.linear.gather [hbm4b:s10+s5], $0x800, $0x38;
	[tilespmem:$0x1FF80] =	vst v63  }
0x25: {  	s4 =	simm.s32 $0x200;
	s2 =	simm.s32 $0x0  }
0x26: {  	[tilespmem:s21], [sflag:$0x4] =	stream.strided.gather [hbm4b:s11+s17], $0x800, s18, s17, $0x38;
	[tilespmem:$0x1FF80] =	vst v63  }
.LBB2_2:
0x27: {  	p0 =	sne.s32 s4, $0x6FE00;
	[tilespmem:s2+$0x70] =	vst v0  }
0x28: {  	[tilespmem:s2+$0x0] =	vst v0  }
0x29: {  	[tilespmem:s2+$0x10] =	vst v0  }
.Ltmp2:
0x2a: {  	[tilespmem:s2+$0x20] =	vst v0;
	(pc) =	sbr.rel @p0 .LBB2_2-.Ltmp2, $4  }
0x2b: {  	[tilespmem:s2+$0x30] =	vst v0  }
0x2c: {  	[tilespmem:s2+$0x40] =	vst v0  }
0x2d: {  	[tilespmem:s2+$0x50] =	vst v0  }
0x2e: {  	[tilespmem:s2+$0x60] =	vst v0;
	s2 =	sshra.s32 s4, $0x2;
	s4 =	sadd.s32 $0x200, s4  }
0x2f: {  	[tilespmem:s2+$0x70] =	vst v0  }
0x30: {  	[tilespmem:s2+$0x0] =	vst v0  }
0x31: {  	[tilespmem:s2+$0x10] =	vst v0  }
0x32: {  	[tilespmem:s2+$0x20] =	vst v0  }
0x33: {  	[tilespmem:s2+$0x30] =	vst v0  }
0x34: {  	[tilespmem:s2+$0x40] =	vst v0  }
0x35: {  	[tilespmem:s2+$0x50] =	vst v0;
	s4 =	simm.s32 $0x0  }
0x36: {  	[tilespmem:s2+$0x60] =	vst v0;
	s2 =	simm.s32 $0x1E000;
	v2 =	vor.u32 s4, v1  }
0x37: {  	s4 =	simm.s32 $0x10;
	[tilespmem:s2+$0x0] =	vst v2  }
.LBB2_4:
0x38: {  	p0 =	sne.s32 s4, $0x370  }
.Ltmp3:
0x39: {  	_ = 	snop;
	(pc) =	sbr.rel @p0 .LBB2_4-.Ltmp3, $3  }
0x3a: {  	_ =	sdelay $0x1  }
0x3b: {  	v2 =	vor.u32 s4, v1;
	s4 =	sadd.s32 $0x10, s4;
	s2 =	sadd.s32 $0x10, s2  }
0x3c: {  	[tilespmem:s2+$0x0] =	vst v2  }
.Ltmp4:
0x3d: {  	s31 =	simm.s32 $0x0;
	(pc) =	sbr.rel .LBB2_6-.Ltmp4, $4  }
0x3e: {  	[spmem:s12] =	stream.linear.scatter [tilespmem:s31], [sflag:$0x5], $0x1C00, $0x38;
	[tilespmem:$0x1FF80] =	vst v63  }
0x3f: {  	_ =	swait.ge [sflag:s22], $0x1C00  }
0x40: {  	[sflag:s22] =	ssyncset.done $0x0  }
0x41: {  	[sflag:s22] =	ssyncadd.s32 $0xFFFFE400  }
.LBB2_12:
0x42: {  	s2 =	sadd.s32 $0x3, s2  }
0x43: {  	p0 =	sge.u32 s2, s6  }
0x44: {  	s2 =	sshll.u32 @!p0 s2, $0x10  }
0x45: {  	s31 =	sadd.s32 $0x1, s31;
	s2 =	sor.u32 @!p0 s8, s2  }
0x46: {  	s16 =	simm.s32 @!p0 $0x0;
	s4 =	sshrl.u32 @!p0 s2, $0x3;
	s2 =	sshrl.u32 @!p0 s2, $0x2  }
0x47: {  	s19 =	simm.s32 @!p0 $0x1C800;
	s4 =	sadd.s32 @!p0 s0, s4;
	s2 =	sadd.s32 @!p0 s1, s2  }
0x48: {  	[tilespmem:s19], [sflag:$0x2] =	stream.linear.gather @!p0 [hbm4b:s4+s16], $0x800, $0x38;
	[tilespmem:$0x1FF80] =	vst v63  }
0x49: {  	s4 =	simm.s32 @!p0 $0x80;
	s16 =	simm.s32 @!p0 $0x100;
	s19 =	simm.s32 @!p0 $0x1D800  }
0x4a: {  	[tilespmem:s19], [sflag:$0x4] =	stream.strided.gather @!p0 [hbm4b:s2+s4], $0x800, s16, s4, $0x38;
	[tilespmem:$0x1FF80] =	vst v63  }
0x4b: {  	p0 =	sne.s32 s31, $0x31  }
.Ltmp5:
0x4c: {  	_ = 	snop;
	(pc) =	sbr.rel @!p0 .LBB2_13-.Ltmp5, $1  }
0x4d: {  	_ =	sdelay $0x3  }
.LBB2_6:
0x4e: {  	s2 =	sshll.u32 s31, $0x1  }
0x4f: {  	p0 =	sge.u32 s2, s6  }
.Ltmp6:
0x50: {  	_ = 	snop;
	(pc) =	sbr.rel @p0 .LBB2_9-.Ltmp6, $1  }
0x51: {  	_ =	sdelay $0x3  }
0x52: {  	_ =	swait.ge [sflag:s23], $0x800  }
0x53: {  	[sflag:s23] =	ssyncset.done $0x0  }
0x54: {  	[sflag:s23] =	ssyncadd.s32 $0xFFFFF800  }
0x55: {  	_ =	swait.ge [sflag:s24], $0x800  }
0x56: {  	[sflag:s24] =	ssyncset.done $0x0  }
0x57: {  	s16 =	simm.s32 $0x1C080;
	[sflag:s24] =	ssyncadd.s32 $0xFFFFF800  }
0x58: {  	v2 =	vld [tilespmem:s16+$0x70]  }
0x59: {  	v3 =	vld [tilespmem:s16+$0xFFFFFF90]  }
0x5a: {  	v4 =	vld [tilespmem:s16+$0xFFFFFFA0]  }
0x5b: {  	v5 =	vld [tilespmem:s16+$0xFFFFFFB0]  }
0x5c: {  	v6 =	vld [tilespmem:s16+$0xFFFFFFC0]  }
0x5d: {  	v7 =	vld [tilespmem:s16+$0xFFFFFFD0]  }
0x5e: {  	v8 =	vld [tilespmem:s16+$0xFFFFFFE0]  }
0x5f: {  	v9 =	vld [tilespmem:s16+$0xFFFFFFF0]  }
0x60: {  	v10 =	vld [tilespmem:s16+$0x0]  }
0x61: {  	v11 =	vld [tilespmem:s16+$0x10]  }
0x62: {  	v36 =	vld [tilespmem:s16+$0x20];
	v2 =	vsub.f32 $0.0e+00, v2  }
0x63: {  	v38 =	vld [tilespmem:s16+$0x30];
	v3 =	vsub.f32 $0.0e+00, v3  }
0x64: {  	s4 =	simm.s32 $0x1D080;
	v40 =	vld [tilespmem:s16+$0x40];
	v4 =	vsub.f32 $0.0e+00, v4;
	v2 =	vmul.f32 $1.442695020e+00, v2  }
0x65: {  	v43 =	vld [tilespmem:s4+$0x70];
	v5 =	vsub.f32 $0.0e+00, v5;
	v3 =	vmul.f32 $1.442695020e+00, v3  }
0x66: {  	v45 =	vld [tilespmem:s16+$0x50];
	v6 =	vsub.f32 $0.0e+00, v6;
	(erf) = vpow2.f32 v2;
	v2 =	vmul.f32 $1.442695020e+00, v4  }
0x67: {  	v47 =	vld [tilespmem:s16+$0x60];
	v35 =	vsub.f32 $0.0e+00, v7;
	v34 =	vmul.f32 $1.442695020e+00, v5;
	(erf) = vpow2.f32 v3  }
0x68: {  	v48 =	vld [tilespmem:s16+$0xFFFFFF80];
	v37 =	vsub.f32 $0.0e+00, v8;
	v3 =	vmul.f32 $1.442695020e+00, v6;
	(erf) = vpow2.f32 v2  }
0x69: {  	v49 =	vld [tilespmem:s4+$0xFFFFFFA0];
	v39 =	vsub.f32 $0.0e+00, v9;
	v2 =	vmul.f32 $1.442695020e+00, v35;
	(erf) = vpow2.f32 v34  }
0x6a: {  	v14 =	vld [tilespmem:s4+$0xFFFFFFB0];
	v42 =	vsub.f32 $0.0e+00, v10;
	v41 =	vmul.f32 $1.442695020e+00, v37;
	(erf) = vpow2.f32 v3  }
0x6b: {  	v52 =	vld [tilespmem:s4+$0xFFFFFFC0];
	v44 =	vsub.f32 $0.0e+00, v11;
	v3 =	vmul.f32 $1.442695020e+00, v39;
	(erf) = vpow2.f32 v2  }
0x6c: {  	v54 =	vld [tilespmem:s4+$0xFFFFFFD0];
	v46 =	vsub.f32 $0.0e+00, v36;
	v2 =	vmul.f32 $1.442695020e+00, v42;
	(erf) = vpow2.f32 v41  }
0x6d: {  	v15 =	vld [tilespmem:s4+$0xFFFFFFE0];
	v8 =	vsub.f32 $0.0e+00, v38;
	v5 =	vmul.f32 $1.442695020e+00, v44;
	(erf) = vpow2.f32 v3  }
0x6e: {  	v16 =	vld [tilespmem:s4+$0xFFFFFFF0];
	v9 =	vsub.f32 $0.0e+00, v40;
	v6 =	vmul.f32 $1.442695020e+00, v46;
	(erf) = vpow2.f32 v2  }
0x6f: {  	v17 =	vld [tilespmem:s4+$0x0];
	v11 =	vsub.f32 $0.0e+00, v45;
	v8 =	vmul.f32 $1.442695020e+00, v8;
	v12 =	vpop (erf);
	(erf) = vpow2.f32 v5  }
0x70: {  	v19 =	vld [tilespmem:s4+$0x10];
	v7 =	vsub.f32 $0.0e+00, v47;
	v9 =	vmul.f32 $1.442695020e+00, v9;
	v13 =	vpop (erf);
	(erf) = vpow2.f32 v6  }
0x71: {  	v21 =	vld [tilespmem:s4+$0x20];
	v11 =	vmul.f32 $1.442695020e+00, v11;
	v4 =	vsub.f32 $0.0e+00, v48;
	v50 =	vpop (erf);
	(erf) = vpow2.f32 v8  }
0x72: {  	v22 =	vld [tilespmem:s4+$0x30];
	v7 =	vmul.f32 $1.442695020e+00, v7;
	v51 =	vpop (erf);
	(erf) = vpow2.f32 v9  }
0x73: {  	v4 =	vmul.f32 $1.442695020e+00, v4;
	v2 =	vld [tilespmem:s4+$0xFFFFFF90];
	v53 =	vpop (erf);
	(erf) = vpow2.f32 v11  }
0x74: {  	v24 =	vld [tilespmem:s4+$0x40];
	v55 =	vpop (erf);
	(erf) = vpow2.f32 v7  }
0x75: {  	v26 =	vld [tilespmem:s4+$0x50];
	v56 =	vpop (erf);
	(erf) = vpow2.f32 v4  }
0x76: {  	v28 =	vld [tilespmem:s4+$0x60];
	v12 =	vadd.f32 $-4.978706690e-02, v12;
	v57 =	vpop (erf)  }
0x77: {  	v3 =	vld [tilespmem:s4+$0xFFFFFF80];
	v6 =	vadd.f32 $-4.978706690e-02, v50;
	v18 =	vpop (erf)  }
0x78: {  	[tilespmem:v43+s5+$0x0] =	vst.idx.add.f32.msk $0xffff, v12;
	v8 =	vadd.f32 $-4.978706690e-02, v51;
	v20 =	vpop (erf)  }
0x79: {  	v13 =	vadd.f32 $-4.978706690e-02, v13;
	[tilespmem:v49+s5+$0x0] =	vst.idx.add.f32.msk $0xffff, v6;
	v23 =	vpop (erf)  }
0x7a: {  	v9 =	vadd.f32 $-4.978706690e-02, v53;
	[tilespmem:v14+s5+$0x0] =	vst.idx.add.f32.msk $0xffff, v8;
	v25 =	vpop (erf)  }
0x7b: {  	v59 =	vadd.f32 $-4.978706690e-02, v55;
	[tilespmem:v2+s5+$0x0] =	vst.idx.add.f32.msk $0xffff, v13;
	v27 =	vpop (erf)  }
0x7c: {  	[tilespmem:v52+s5+$0x0] =	vst.idx.add.f32.msk $0xffff, v9;
	v7 =	vadd.f32 $-4.978706690e-02, v56;
	v29 =	vpop (erf)  }
0x7d: {  	[tilespmem:v54+s5+$0x0] =	vst.idx.add.f32.msk $0xffff, v59;
	v60 =	vadd.f32 $-4.978706690e-02, v18;
	v2 =	vpop (erf)  }
0x7e: {  	[tilespmem:v15+s5+$0x0] =	vst.idx.add.f32.msk $0xffff, v7;
	v61 =	vadd.f32 $-4.978706690e-02, v20;
	v58 =	vpop (erf)  }
0x7f: {  	[tilespmem:v17+s5+$0x0] =	vst.idx.add.f32.msk $0xffff, v60;
	v5 =	vadd.f32 $-4.978706690e-02, v58  }
0x80: {  	v62 =	vadd.f32 $-4.978706690e-02, v25;
	[tilespmem:v19+s5+$0x0] =	vst.idx.add.f32.msk $0xffff, v61  }
0x81: {  	[tilespmem:v3+s5+$0x0] =	vst.idx.add.f32.msk $0xffff, v5;
	v3 =	vadd.f32 $-4.978706690e-02, v57  }
0x82: {  	v63 =	vadd.f32 $-4.978706690e-02, v27;
	[tilespmem:v22+s5+$0x0] =	vst.idx.add.f32.msk $0xffff, v62  }
0x83: {  	[tilespmem:v16+s5+$0x0] =	vst.idx.add.f32.msk $0xffff, v3;
	v3 =	vadd.f32 $-4.978706690e-02, v23  }
0x84: {  	v2 =	vadd.f32 $-4.978706690e-02, v2;
	[tilespmem:v24+s5+$0x0] =	vst.idx.add.f32.msk $0xffff, v63  }
0x85: {  	[tilespmem:v21+s5+$0x0] =	vst.idx.add.f32.msk $0xffff, v3;
	v3 =	vadd.f32 $-4.978706690e-02, v29  }
0x86: {  	[tilespmem:v28+s5+$0x0] =	vst.idx.add.f32.msk $0xffff, v2  }
0x87: {  	s19 =	simm.s32 $0x1C180;
	s16 =	simm.s32 $0x0;
	[tilespmem:v26+s5+$0x0] =	vst.idx.add.f32.msk $0xffff, v3  }
.LBB2_8:
0x88: {  	v2 =	vld [tilespmem:s19+$0x70];
	s16 =	sadd.s32 $0x10, s16  }
0x89: {  	v3 =	vld [tilespmem:s19+$0xFFFFFF90];
	p0 =	slt.u32 s16, $0x70  }
0x8a: {  	v4 =	vld [tilespmem:s19+$0xFFFFFFA0]  }
0x8b: {  	v5 =	vld [tilespmem:s19+$0xFFFFFFB0]  }
0x8c: {  	v6 =	vld [tilespmem:s19+$0xFFFFFFC0]  }
0x8d: {  	v7 =	vld [tilespmem:s19+$0xFFFFFFD0];
	v2 =	vsub.f32 $0.0e+00, v2  }
0x8e: {  	v3 =	vsub.f32 $0.0e+00, v3;
	v8 =	vld [tilespmem:s19+$0xFFFFFFE0]  }
0x8f: {  	v4 =	vsub.f32 $0.0e+00, v4;
	v9 =	vld [tilespmem:s19+$0xFFFFFFF0];
	v2 =	vmul.f32 $1.442695020e+00, v2  }
0x90: {  	v3 =	vmul.f32 $1.442695020e+00, v3;
	v5 =	vsub.f32 $0.0e+00, v5;
	v10 =	vld [tilespmem:s19+$0x0]  }
0x91: {  	v4 =	vmul.f32 $1.442695020e+00, v4;
	v6 =	vsub.f32 $0.0e+00, v6;
	v11 =	vld [tilespmem:s19+$0x10];
	(erf) = vpow2.f32 v2  }
0x92: {  	v2 =	vmul.f32 $1.442695020e+00, v5;
	v5 =	vsub.f32 $0.0e+00, v7;
	v7 =	vld [tilespmem:s19+$0x20];
	(erf) = vpow2.f32 v3  }
0x93: {  	v3 =	vmul.f32 $1.442695020e+00, v6;
	v6 =	vsub.f32 $0.0e+00, v8;
	v8 =	vld [tilespmem:s19+$0x30];
	(erf) = vpow2.f32 v4  }
0x94: {  	s4 =	sadd.s32 $0x100, s4;
	v4 =	vmul.f32 $1.442695020e+00, v5;
	v5 =	vsub.f32 $0.0e+00, v9;
	v9 =	vld [tilespmem:s19+$0x40];
	(erf) = vpow2.f32 v2  }
0x95: {  	v2 =	vmul.f32 $1.442695020e+00, v6;
	v6 =	vsub.f32 $0.0e+00, v10;
	v10 =	vld [tilespmem:s4+$0x70];
	(erf) = vpow2.f32 v3  }
0x96: {  	v3 =	vmul.f32 $1.442695020e+00, v5;
	v5 =	vsub.f32 $0.0e+00, v11;
	v11 =	vld [tilespmem:s19+$0x50];
	(erf) = vpow2.f32 v4  }
0x97: {  	v4 =	vmul.f32 $1.442695020e+00, v6;
	v6 =	vsub.f32 $0.0e+00, v7;
	v7 =	vld [tilespmem:s19+$0x60];
	(erf) = vpow2.f32 v2  }
0x98: {  	v2 =	vld [tilespmem:s19+$0xFFFFFF80];
	v12 =	vmul.f32 $1.442695020e+00, v5;
	v8 =	vsub.f32 $0.0e+00, v8;
	(erf) = vpow2.f32 v3  }
0x99: {  	v3 =	vld [tilespmem:s4+$0xFFFFFF80];
	v6 =	vmul.f32 $1.442695020e+00, v6;
	v9 =	vsub.f32 $0.0e+00, v9;
	(erf) = vpow2.f32 v4  }
0x9a: {  	v4 =	vld [tilespmem:s4+$0xFFFFFF90];
	v8 =	vmul.f32 $1.442695020e+00, v8;
	(erf) = vpow2.f32 v12;
	v5 =	vpop (erf)  }
0x9b: {  	v12 =	vld [tilespmem:s4+$0xFFFFFFA0];
	v9 =	vmul.f32 $1.442695020e+00, v9;
	v17 =	vsub.f32 $0.0e+00, v11;
	v16 =	vadd.f32 $-4.978706690e-02, v5;
	v13 =	vpop (erf)  }
0x9c: {  	v13 =	vadd.f32 $-4.978706690e-02, v13;
	v14 =	vld [tilespmem:s4+$0xFFFFFFB0];
	v7 =	vsub.f32 $0.0e+00, v7;
	v15 =	vpop (erf);
	(erf) = vpow2.f32 v6  }
0x9d: {  	v2 =	vsub.f32 $0.0e+00, v2;
	v6 =	vmul.f32 $1.442695020e+00, v17;
	[tilespmem:v10+s5+$0x0] =	vst.idx.add.f32.msk $0xffff, v16;
	v5 =	vpop (erf);
	(erf) = vpow2.f32 v8  }
0x9e: {  	v8 =	vadd.f32 $-4.978706690e-02, v15;
	v10 =	vld [tilespmem:s4+$0xFFFFFFC0];
	v7 =	vmul.f32 $1.442695020e+00, v7;
	v11 =	vpop (erf);
	(erf) = vpow2.f32 v9  }
0x9f: {  	v5 =	vadd.f32 $-4.978706690e-02, v5;
	v17 =	vmul.f32 $1.442695020e+00, v2;
	v9 =	vld [tilespmem:s4+$0xFFFFFFD0];
	v15 =	vpop (erf);
	(erf) = vpow2.f32 v6  }
0xa0: {  	v6 =	vadd.f32 $-4.978706690e-02, v11;
	v11 =	vadd.f32 $-4.978706690e-02, v15;
	v15 =	vld [tilespmem:s4+$0xFFFFFFE0];
	v16 =	vpop (erf);
	(erf) = vpow2.f32 v7  }
0xa1: {  	v7 =	vadd.f32 $-4.978706690e-02, v16;
	v16 =	vld [tilespmem:s4+$0xFFFFFFF0];
	(erf) = vpow2.f32 v17;
	v2 =	vpop (erf)  }
0xa2: {  	v2 =	vadd.f32 $-4.978706690e-02, v2;
	v17 =	vld [tilespmem:s4+$0x0];
	v18 =	vpop (erf)  }
0xa3: {  	v18 =	vadd.f32 $-4.978706690e-02, v18;
	v19 =	vld [tilespmem:s4+$0x10];
	v20 =	vpop (erf)  }
0xa4: {  	v20 =	vadd.f32 $-4.978706690e-02, v20;
	v21 =	vld [tilespmem:s4+$0x20]  }
0xa5: {  	v22 =	vld [tilespmem:s4+$0x30];
	v23 =	vpop (erf)  }
0xa6: {  	v23 =	vadd.f32 $-4.978706690e-02, v23;
	v24 =	vld [tilespmem:s4+$0x40];
	v25 =	vpop (erf)  }
0xa7: {  	v25 =	vadd.f32 $-4.978706690e-02, v25;
	v26 =	vld [tilespmem:s4+$0x50];
	v27 =	vpop (erf)  }
0xa8: {  	v27 =	vadd.f32 $-4.978706690e-02, v27;
	v28 =	vld [tilespmem:s4+$0x60];
	v29 =	vpop (erf)  }
0xa9: {  	[tilespmem:v4+s5+$0x0] =	vst.idx.add.f32.msk $0xffff, v13;
	v4 =	vadd.f32 $-4.978706690e-02, v29;
	v13 =	vpop (erf)  }
0xaa: {  	[tilespmem:v12+s5+$0x0] =	vst.idx.add.f32.msk $0xffff, v8;
	v8 =	vadd.f32 $-4.978706690e-02, v13;
	v12 =	vpop (erf)  }
0xab: {  	v12 =	vadd.f32 $-4.978706690e-02, v12;
	[tilespmem:v14+s5+$0x0] =	vst.idx.add.f32.msk $0xffff, v5  }
0xac: {  	[tilespmem:v10+s5+$0x0] =	vst.idx.add.f32.msk $0xffff, v6  }
0xad: {  	[tilespmem:v3+s5+$0x0] =	vst.idx.add.f32.msk $0xffff, v12  }
0xae: {  	[tilespmem:v9+s5+$0x0] =	vst.idx.add.f32.msk $0xffff, v11  }
0xaf: {  	[tilespmem:v15+s5+$0x0] =	vst.idx.add.f32.msk $0xffff, v7  }
0xb0: {  	[tilespmem:v16+s5+$0x0] =	vst.idx.add.f32.msk $0xffff, v2  }
0xb1: {  	[tilespmem:v17+s5+$0x0] =	vst.idx.add.f32.msk $0xffff, v18  }
0xb2: {  	[tilespmem:v19+s5+$0x0] =	vst.idx.add.f32.msk $0xffff, v20  }
.Ltmp7:
0xb3: {  	[tilespmem:v21+s5+$0x0] =	vst.idx.add.f32.msk $0xffff, v23;
	(pc) =	sbr.rel @p0 .LBB2_8-.Ltmp7, $4  }
0xb4: {  	[tilespmem:v22+s5+$0x0] =	vst.idx.add.f32.msk $0xffff, v25  }
0xb5: {  	[tilespmem:v24+s5+$0x0] =	vst.idx.add.f32.msk $0xffff, v27  }
0xb6: {  	[tilespmem:v26+s5+$0x0] =	vst.idx.add.f32.msk $0xffff, v4  }
0xb7: {  	s19 =	sadd.s32 $0x100, s19;
	[tilespmem:v28+s5+$0x0] =	vst.idx.add.f32.msk $0xffff, v8  }
.LBB2_9:
0xb8: {  	s4 =	sadd.s32 $0x2, s2  }
0xb9: {  	p0 =	sge.u32 s4, s6  }
0xba: {  	s4 =	sshll.u32 @!p0 s4, $0x10  }
0xbb: {  	s4 =	sor.u32 @!p0 s8, s4  }
0xbc: {  	s19 =	simm.s32 @!p0 $0x0;
	s16 =	sshrl.u32 @!p0 s4, $0x3;
	s4 =	sshrl.u32 @!p0 s4, $0x2  }
0xbd: {  	s20 =	simm.s32 @!p0 $0x1C000;
	s16 =	sadd.s32 @!p0 s0, s16;
	s4 =	sadd.s32 @!p0 s1, s4  }
0xbe: {  	[tilespmem:s20], [sflag:$0x1] =	stream.linear.gather @!p0 [hbm4b:s16+s19], $0x800, $0x38;
	[tilespmem:$0x1FF80] =	vst v63  }
0xbf: {  	s16 =	simm.s32 @!p0 $0x80;
	s19 =	simm.s32 @!p0 $0x100;
	s20 =	simm.s32 @!p0 $0x1D000  }
0xc0: {  	[tilespmem:s20], [sflag:$0x3] =	stream.strided.gather @!p0 [hbm4b:s4+s16], $0x800, s19, s16, $0x38;
	[tilespmem:$0x1FF80] =	vst v63  }
0xc1: {  	p0 =	sge.u32 s2, s13  }
.Ltmp8:
0xc2: {  	_ = 	snop;
	(pc) =	sbr.rel @p0 .LBB2_12-.Ltmp8, $1  }
0xc3: {  	_ =	sdelay $0x3  }
0xc4: {  	_ =	swait.ge [sflag:s25], $0x800  }
0xc5: {  	[sflag:s25] =	ssyncset.done $0x0  }
0xc6: {  	[sflag:s25] =	ssyncadd.s32 $0xFFFFF800  }
0xc7: {  	_ =	swait.ge [sflag:s26], $0x800  }
0xc8: {  	[sflag:s26] =	ssyncset.done $0x0  }
0xc9: {  	s16 =	simm.s32 $0x1C880;
	[sflag:s26] =	ssyncadd.s32 $0xFFFFF800  }
0xca: {  	v2 =	vld [tilespmem:s16+$0x70]  }
0xcb: {  	v3 =	vld [tilespmem:s16+$0xFFFFFF90]  }
0xcc: {  	v4 =	vld [tilespmem:s16+$0xFFFFFFA0]  }
0xcd: {  	v5 =	vld [tilespmem:s16+$0xFFFFFFB0]  }
0xce: {  	v6 =	vld [tilespmem:s16+$0xFFFFFFC0]  }
0xcf: {  	v7 =	vld [tilespmem:s16+$0xFFFFFFD0]  }
0xd0: {  	v8 =	vld [tilespmem:s16+$0xFFFFFFE0]  }
0xd1: {  	v9 =	vld [tilespmem:s16+$0xFFFFFFF0]  }
0xd2: {  	v10 =	vld [tilespmem:s16+$0x0]  }
0xd3: {  	v11 =	vld [tilespmem:s16+$0x10]  }
0xd4: {  	v36 =	vld [tilespmem:s16+$0x20];
	v2 =	vsub.f32 $0.0e+00, v2  }
0xd5: {  	v38 =	vld [tilespmem:s16+$0x30];
	v3 =	vsub.f32 $0.0e+00, v3  }
0xd6: {  	s4 =	simm.s32 $0x1D880;
	v40 =	vld [tilespmem:s16+$0x40];
	v4 =	vsub.f32 $0.0e+00, v4;
	v2 =	vmul.f32 $1.442695020e+00, v2  }
0xd7: {  	v43 =	vld [tilespmem:s4+$0x70];
	v5 =	vsub.f32 $0.0e+00, v5;
	v3 =	vmul.f32 $1.442695020e+00, v3  }
0xd8: {  	v45 =	vld [tilespmem:s16+$0x50];
	v6 =	vsub.f32 $0.0e+00, v6;
	(erf) = vpow2.f32 v2;
	v2 =	vmul.f32 $1.442695020e+00, v4  }
0xd9: {  	v47 =	vld [tilespmem:s16+$0x60];
	v35 =	vsub.f32 $0.0e+00, v7;
	v34 =	vmul.f32 $1.442695020e+00, v5;
	(erf) = vpow2.f32 v3  }
0xda: {  	v48 =	vld [tilespmem:s16+$0xFFFFFF80];
	v37 =	vsub.f32 $0.0e+00, v8;
	v3 =	vmul.f32 $1.442695020e+00, v6;
	(erf) = vpow2.f32 v2  }
0xdb: {  	v49 =	vld [tilespmem:s4+$0xFFFFFFA0];
	v39 =	vsub.f32 $0.0e+00, v9;
	v2 =	vmul.f32 $1.442695020e+00, v35;
	(erf) = vpow2.f32 v34  }
0xdc: {  	v14 =	vld [tilespmem:s4+$0xFFFFFFB0];
	v42 =	vsub.f32 $0.0e+00, v10;
	v41 =	vmul.f32 $1.442695020e+00, v37;
	(erf) = vpow2.f32 v3  }
0xdd: {  	v52 =	vld [tilespmem:s4+$0xFFFFFFC0];
	v44 =	vsub.f32 $0.0e+00, v11;
	v3 =	vmul.f32 $1.442695020e+00, v39;
	(erf) = vpow2.f32 v2  }
0xde: {  	v54 =	vld [tilespmem:s4+$0xFFFFFFD0];
	v46 =	vsub.f32 $0.0e+00, v36;
	v2 =	vmul.f32 $1.442695020e+00, v42;
	(erf) = vpow2.f32 v41  }
0xdf: {  	v15 =	vld [tilespmem:s4+$0xFFFFFFE0];
	v8 =	vsub.f32 $0.0e+00, v38;
	v5 =	vmul.f32 $1.442695020e+00, v44;
	(erf) = vpow2.f32 v3  }
0xe0: {  	v16 =	vld [tilespmem:s4+$0xFFFFFFF0];
	v9 =	vsub.f32 $0.0e+00, v40;
	v6 =	vmul.f32 $1.442695020e+00, v46;
	(erf) = vpow2.f32 v2  }
0xe1: {  	v17 =	vld [tilespmem:s4+$0x0];
	v11 =	vsub.f32 $0.0e+00, v45;
	v8 =	vmul.f32 $1.442695020e+00, v8;
	v12 =	vpop (erf);
	(erf) = vpow2.f32 v5  }
0xe2: {  	v19 =	vld [tilespmem:s4+$0x10];
	v7 =	vsub.f32 $0.0e+00, v47;
	v9 =	vmul.f32 $1.442695020e+00, v9;
	v13 =	vpop (erf);
	(erf) = vpow2.f32 v6  }
0xe3: {  	v21 =	vld [tilespmem:s4+$0x20];
	v11 =	vmul.f32 $1.442695020e+00, v11;
	v4 =	vsub.f32 $0.0e+00, v48;
	v50 =	vpop (erf);
	(erf) = vpow2.f32 v8  }
0xe4: {  	v22 =	vld [tilespmem:s4+$0x30];
	v7 =	vmul.f32 $1.442695020e+00, v7;
	v51 =	vpop (erf);
	(erf) = vpow2.f32 v9  }
0xe5: {  	v4 =	vmul.f32 $1.442695020e+00, v4;
	v2 =	vld [tilespmem:s4+$0xFFFFFF90];
	v53 =	vpop (erf);
	(erf) = vpow2.f32 v11  }
0xe6: {  	v24 =	vld [tilespmem:s4+$0x40];
	v55 =	vpop (erf);
	(erf) = vpow2.f32 v7  }
0xe7: {  	v26 =	vld [tilespmem:s4+$0x50];
	v56 =	vpop (erf);
	(erf) = vpow2.f32 v4  }
0xe8: {  	v28 =	vld [tilespmem:s4+$0x60];
	v12 =	vadd.f32 $-4.978706690e-02, v12;
	v57 =	vpop (erf)  }
0xe9: {  	v3 =	vld [tilespmem:s4+$0xFFFFFF80];
	v6 =	vadd.f32 $-4.978706690e-02, v50;
	v18 =	vpop (erf)  }
0xea: {  	[tilespmem:v43+s5+$0x0] =	vst.idx.add.f32.msk $0xffff, v12;
	v8 =	vadd.f32 $-4.978706690e-02, v51;
	v20 =	vpop (erf)  }
0xeb: {  	v13 =	vadd.f32 $-4.978706690e-02, v13;
	[tilespmem:v49+s5+$0x0] =	vst.idx.add.f32.msk $0xffff, v6;
	v23 =	vpop (erf)  }
0xec: {  	v9 =	vadd.f32 $-4.978706690e-02, v53;
	[tilespmem:v14+s5+$0x0] =	vst.idx.add.f32.msk $0xffff, v8;
	v25 =	vpop (erf)  }
0xed: {  	v59 =	vadd.f32 $-4.978706690e-02, v55;
	[tilespmem:v2+s5+$0x0] =	vst.idx.add.f32.msk $0xffff, v13;
	v27 =	vpop (erf)  }
0xee: {  	[tilespmem:v52+s5+$0x0] =	vst.idx.add.f32.msk $0xffff, v9;
	v7 =	vadd.f32 $-4.978706690e-02, v56;
	v29 =	vpop (erf)  }
0xef: {  	[tilespmem:v54+s5+$0x0] =	vst.idx.add.f32.msk $0xffff, v59;
	v60 =	vadd.f32 $-4.978706690e-02, v18;
	v2 =	vpop (erf)  }
0xf0: {  	[tilespmem:v15+s5+$0x0] =	vst.idx.add.f32.msk $0xffff, v7;
	v61 =	vadd.f32 $-4.978706690e-02, v20;
	v58 =	vpop (erf)  }
0xf1: {  	[tilespmem:v17+s5+$0x0] =	vst.idx.add.f32.msk $0xffff, v60;
	v5 =	vadd.f32 $-4.978706690e-02, v58  }
0xf2: {  	v62 =	vadd.f32 $-4.978706690e-02, v25;
	[tilespmem:v19+s5+$0x0] =	vst.idx.add.f32.msk $0xffff, v61  }
0xf3: {  	[tilespmem:v3+s5+$0x0] =	vst.idx.add.f32.msk $0xffff, v5;
	v3 =	vadd.f32 $-4.978706690e-02, v57  }
0xf4: {  	v63 =	vadd.f32 $-4.978706690e-02, v27;
	[tilespmem:v22+s5+$0x0] =	vst.idx.add.f32.msk $0xffff, v62  }
0xf5: {  	[tilespmem:v16+s5+$0x0] =	vst.idx.add.f32.msk $0xffff, v3;
	v3 =	vadd.f32 $-4.978706690e-02, v23  }
0xf6: {  	v2 =	vadd.f32 $-4.978706690e-02, v2;
	[tilespmem:v24+s5+$0x0] =	vst.idx.add.f32.msk $0xffff, v63  }
0xf7: {  	[tilespmem:v21+s5+$0x0] =	vst.idx.add.f32.msk $0xffff, v3;
	v3 =	vadd.f32 $-4.978706690e-02, v29  }
0xf8: {  	[tilespmem:v28+s5+$0x0] =	vst.idx.add.f32.msk $0xffff, v2  }
0xf9: {  	s19 =	simm.s32 $0x1C980;
	s16 =	simm.s32 $0x0;
	[tilespmem:v26+s5+$0x0] =	vst.idx.add.f32.msk $0xffff, v3  }
.LBB2_11:
0xfa: {  	v2 =	vld [tilespmem:s19+$0x70];
	s16 =	sadd.s32 $0x10, s16  }
0xfb: {  	v3 =	vld [tilespmem:s19+$0xFFFFFF90];
	p0 =	slt.u32 s16, $0x70  }
0xfc: {  	v4 =	vld [tilespmem:s19+$0xFFFFFFA0]  }
0xfd: {  	v5 =	vld [tilespmem:s19+$0xFFFFFFB0]  }
0xfe: {  	v6 =	vld [tilespmem:s19+$0xFFFFFFC0]  }
0xff: {  	v7 =	vld [tilespmem:s19+$0xFFFFFFD0];
	v2 =	vsub.f32 $0.0e+00, v2  }
0x100: {  	v3 =	vsub.f32 $0.0e+00, v3;
	v8 =	vld [tilespmem:s19+$0xFFFFFFE0]  }
0x101: {  	v4 =	vsub.f32 $0.0e+00, v4;
	v9 =	vld [tilespmem:s19+$0xFFFFFFF0];
	v2 =	vmul.f32 $1.442695020e+00, v2  }
0x102: {  	v3 =	vmul.f32 $1.442695020e+00, v3;
	v5 =	vsub.f32 $0.0e+00, v5;
	v10 =	vld [tilespmem:s19+$0x0]  }
0x103: {  	v4 =	vmul.f32 $1.442695020e+00, v4;
	v6 =	vsub.f32 $0.0e+00, v6;
	v11 =	vld [tilespmem:s19+$0x10];
	(erf) = vpow2.f32 v2  }
0x104: {  	v2 =	vmul.f32 $1.442695020e+00, v5;
	v5 =	vsub.f32 $0.0e+00, v7;
	v7 =	vld [tilespmem:s19+$0x20];
	(erf) = vpow2.f32 v3  }
0x105: {  	v3 =	vmul.f32 $1.442695020e+00, v6;
	v6 =	vsub.f32 $0.0e+00, v8;
	v8 =	vld [tilespmem:s19+$0x30];
	(erf) = vpow2.f32 v4  }
0x106: {  	s4 =	sadd.s32 $0x100, s4;
	v4 =	vmul.f32 $1.442695020e+00, v5;
	v5 =	vsub.f32 $0.0e+00, v9;
	v9 =	vld [tilespmem:s19+$0x40];
	(erf) = vpow2.f32 v2  }
0x107: {  	v2 =	vmul.f32 $1.442695020e+00, v6;
	v6 =	vsub.f32 $0.0e+00, v10;
	v10 =	vld [tilespmem:s4+$0x70];
	(erf) = vpow2.f32 v3  }
0x108: {  	v3 =	vmul.f32 $1.442695020e+00, v5;
	v5 =	vsub.f32 $0.0e+00, v11;
	v11 =	vld [tilespmem:s19+$0x50];
	(erf) = vpow2.f32 v4  }
0x109: {  	v4 =	vmul.f32 $1.442695020e+00, v6;
	v6 =	vsub.f32 $0.0e+00, v7;
	v7 =	vld [tilespmem:s19+$0x60];
	(erf) = vpow2.f32 v2  }
0x10a: {  	v2 =	vld [tilespmem:s19+$0xFFFFFF80];
	v12 =	vmul.f32 $1.442695020e+00, v5;
	v8 =	vsub.f32 $0.0e+00, v8;
	(erf) = vpow2.f32 v3  }
0x10b: {  	v3 =	vld [tilespmem:s4+$0xFFFFFF80];
	v6 =	vmul.f32 $1.442695020e+00, v6;
	v9 =	vsub.f32 $0.0e+00, v9;
	(erf) = vpow2.f32 v4  }
0x10c: {  	v4 =	vld [tilespmem:s4+$0xFFFFFF90];
	v8 =	vmul.f32 $1.442695020e+00, v8;
	(erf) = vpow2.f32 v12;
	v5 =	vpop (erf)  }
0x10d: {  	v12 =	vld [tilespmem:s4+$0xFFFFFFA0];
	v9 =	vmul.f32 $1.442695020e+00, v9;
	v17 =	vsub.f32 $0.0e+00, v11;
	v16 =	vadd.f32 $-4.978706690e-02, v5;
	v13 =	vpop (erf)  }
0x10e: {  	v13 =	vadd.f32 $-4.978706690e-02, v13;
	v14 =	vld [tilespmem:s4+$0xFFFFFFB0];
	v7 =	vsub.f32 $0.0e+00, v7;
	v15 =	vpop (erf);
	(erf) = vpow2.f32 v6  }
0x10f: {  	v2 =	vsub.f32 $0.0e+00, v2;
	v6 =	vmul.f32 $1.442695020e+00, v17;
	[tilespmem:v10+s5+$0x0] =	vst.idx.add.f32.msk $0xffff, v16;
	v5 =	vpop (erf);
	(erf) = vpow2.f32 v8  }
0x110: {  	v8 =	vadd.f32 $-4.978706690e-02, v15;
	v10 =	vld [tilespmem:s4+$0xFFFFFFC0];
	v7 =	vmul.f32 $1.442695020e+00, v7;
	v11 =	vpop (erf);
	(erf) = vpow2.f32 v9  }
0x111: {  	v5 =	vadd.f32 $-4.978706690e-02, v5;
	v17 =	vmul.f32 $1.442695020e+00, v2;
	v9 =	vld [tilespmem:s4+$0xFFFFFFD0];
	v15 =	vpop (erf);
	(erf) = vpow2.f32 v6  }
0x112: {  	v6 =	vadd.f32 $-4.978706690e-02, v11;
	v11 =	vadd.f32 $-4.978706690e-02, v15;
	v15 =	vld [tilespmem:s4+$0xFFFFFFE0];
	v16 =	vpop (erf);
	(erf) = vpow2.f32 v7  }
0x113: {  	v7 =	vadd.f32 $-4.978706690e-02, v16;
	v16 =	vld [tilespmem:s4+$0xFFFFFFF0];
	(erf) = vpow2.f32 v17;
	v2 =	vpop (erf)  }
0x114: {  	v2 =	vadd.f32 $-4.978706690e-02, v2;
	v17 =	vld [tilespmem:s4+$0x0];
	v18 =	vpop (erf)  }
0x115: {  	v18 =	vadd.f32 $-4.978706690e-02, v18;
	v19 =	vld [tilespmem:s4+$0x10];
	v20 =	vpop (erf)  }
0x116: {  	v20 =	vadd.f32 $-4.978706690e-02, v20;
	v21 =	vld [tilespmem:s4+$0x20]  }
0x117: {  	v22 =	vld [tilespmem:s4+$0x30];
	v23 =	vpop (erf)  }
0x118: {  	v23 =	vadd.f32 $-4.978706690e-02, v23;
	v24 =	vld [tilespmem:s4+$0x40];
	v25 =	vpop (erf)  }
0x119: {  	v25 =	vadd.f32 $-4.978706690e-02, v25;
	v26 =	vld [tilespmem:s4+$0x50];
	v27 =	vpop (erf)  }
0x11a: {  	v27 =	vadd.f32 $-4.978706690e-02, v27;
	v28 =	vld [tilespmem:s4+$0x60];
	v29 =	vpop (erf)  }
0x11b: {  	[tilespmem:v4+s5+$0x0] =	vst.idx.add.f32.msk $0xffff, v13;
	v4 =	vadd.f32 $-4.978706690e-02, v29;
	v13 =	vpop (erf)  }
0x11c: {  	[tilespmem:v12+s5+$0x0] =	vst.idx.add.f32.msk $0xffff, v8;
	v8 =	vadd.f32 $-4.978706690e-02, v13;
	v12 =	vpop (erf)  }
0x11d: {  	v12 =	vadd.f32 $-4.978706690e-02, v12;
	[tilespmem:v14+s5+$0x0] =	vst.idx.add.f32.msk $0xffff, v5  }
0x11e: {  	[tilespmem:v10+s5+$0x0] =	vst.idx.add.f32.msk $0xffff, v6  }
0x11f: {  	[tilespmem:v3+s5+$0x0] =	vst.idx.add.f32.msk $0xffff, v12  }
0x120: {  	[tilespmem:v9+s5+$0x0] =	vst.idx.add.f32.msk $0xffff, v11  }
0x121: {  	[tilespmem:v15+s5+$0x0] =	vst.idx.add.f32.msk $0xffff, v7  }
0x122: {  	[tilespmem:v16+s5+$0x0] =	vst.idx.add.f32.msk $0xffff, v2  }
0x123: {  	[tilespmem:v17+s5+$0x0] =	vst.idx.add.f32.msk $0xffff, v18  }
0x124: {  	[tilespmem:v19+s5+$0x0] =	vst.idx.add.f32.msk $0xffff, v20  }
.Ltmp9:
0x125: {  	[tilespmem:v21+s5+$0x0] =	vst.idx.add.f32.msk $0xffff, v23;
	(pc) =	sbr.rel @p0 .LBB2_11-.Ltmp9, $4  }
0x126: {  	[tilespmem:v22+s5+$0x0] =	vst.idx.add.f32.msk $0xffff, v25  }
0x127: {  	[tilespmem:v24+s5+$0x0] =	vst.idx.add.f32.msk $0xffff, v27  }
0x128: {  	[tilespmem:v26+s5+$0x0] =	vst.idx.add.f32.msk $0xffff, v4  }
0x129: {  	s19 =	sadd.s32 $0x100, s19;
	[tilespmem:v28+s5+$0x0] =	vst.idx.add.f32.msk $0xffff, v8  }
.Ltmp10:
0x12a: {  	_ = 	snop;
	(pc) =	sbr.rel .LBB2_12-.Ltmp10, $1  }
0x12b: {  	_ =	sdelay $0x3  }
.LBB2_14:
0x12c: {  	_ =	sfence.sel $0x180000  }
0x12d: {  	[bflag:$0x0] =	sbarrier.arrive $0xFFFF  }
0x12e: {  	_ =	strace $0x90000047  }
0x12f: {  	[bflag:$0x2] =	sbarrier.arrive $0xFFFF  }
0x130: {  	p0 =	sne.s32 s3, $0x0;
	s0 =	rddreg [dreg:$0x4]  }
0x131: {  	s0 =	sadd.s32 @!p0 $0x100000, s0  }
0x132: {  	[sflag:s0] =	ssyncadd.tile.s32 @!p0 $0x1;
	_ =	shalt  }
.Lfunc_end2:
_tile_overlayer_lowered:
.L_overlay_start_2:
0x133: {  	(tag) =	ssettag $0x2  }
0x134: {  	s0 =	rddreg [dreg:$0x0];
	s2 =	stileid.u32  }
0x135: {  	s1 =	rddreg [dreg:$0x1];
	p0 =	sne.s32 s2, $0x0  }
0x136: {  	s3 =	rddreg [dreg:$0x2];
	[bflag:$0x3] =	sbarrier.arrive $0xFFFF;
	s2 =	simm.s32 @!p0 $0x1C05  }
0x137: {  	[timem:s3], [sflag:s2] =	dma.local @!p0 [hbm:s0], s1  }
0x138: {  	s0 =	simm.s32 @!p0 $0x5  }
0x139: {  	_ =	swait.ge @!p0 [sflag:s0], s1  }
0x13a: {  	s1 =	ssub.s32 @!p0 $0x0, s1;
	[sflag:s0] =	ssyncset.done @!p0 $0x0  }
0x13b: {  	[sflag:s0] =	ssyncadd.s32 @!p0 s1  }
0x13c: {  	[bflag:$0x3] =	sbarrier.arrive $0xFFFF  }
0x13d: {  	_ =	shalt  }

</sc_bundles>
